<compile_context>
chip_gen: v7x
topology: tpu7x:2x2x1
jax: 0.10.2.dev20260603
libtpu: 0.0.44.dev20260713+nightly
codegen_flags: <defaults>
</compile_context>

<pallas_src>
import functools

import jax
import jax.numpy as jnp
from jax import lax
from jax.experimental import pallas as pl
from jax.experimental.pallas import tpu as pltpu
from jax.experimental.pallas import tpu_sc as plsc

_CH = 128
_K = 13
_BB = 512


@functools.lru_cache(maxsize=None)
def _make_gather(B, V, D, NW, NC):
    b_per_w = B // NW
    n_chunks = b_per_w // _CH
    n_phases = n_chunks // _K
    rows_per_phase = _K * _CH
    mesh = plsc.VectorSubcoreMesh(core_axis_name="c", subcore_axis_name="s")

    @functools.partial(
        pl.kernel,
        mesh=mesh,
        compiler_params=pltpu.CompilerParams(use_tc_tiling_on_sc=False),
        out_type=jax.ShapeDtypeStruct((B, D), jnp.float32),
        scratch_types=[
            pltpu.VMEM((n_chunks, _CH), jnp.int32),
            pltpu.VMEM((2, rows_per_phase, D), jnp.float32),
            pltpu.SemaphoreType.DMA,
            pltpu.SemaphoreType.DMA,
            pltpu.SemaphoreType.DMA,
            pltpu.SemaphoreType.DMA,
        ],
    )
    def k(idx_hbm, table_hbm, out_hbm, idx_v, rows_v, g0, g1, o0, o1):
        gsem = (g0, g1)
        osem = (o0, o1)
        wid = lax.axis_index("s") * NC + lax.axis_index("c")
        base = wid * b_per_w
        pltpu.sync_copy(idx_hbm.at[pl.ds(wid * n_chunks, n_chunks)], idx_v)

        def fire(phase, buf):
            for c in range(_K):
                pltpu.async_copy(
                    table_hbm.at[idx_v.at[phase * _K + c]],
                    rows_v.at[buf].at[pl.ds(c * _CH, _CH)],
                    gsem[buf],
                )

        def drain_gathers(buf):
            for c in range(_K):
                pltpu.make_async_copy(
                    table_hbm.at[idx_v.at[0]],
                    rows_v.at[buf].at[pl.ds(c * _CH, _CH)],
                    gsem[buf],
                ).wait()

        fire(0, 0)

        def group(g, carry):
            for b in (0, 1):
                p = 2 * g + b
                nb = 1 - b
                if b == 0:
                    @pl.when(g > 0)
                    def _():
                        pltpu.make_async_copy(
                            rows_v.at[nb],
                            out_hbm.at[pl.ds(base, rows_per_phase)],
                            osem[nb],
                        ).wait()

                    fire(p + 1, nb)
                else:
                    pltpu.make_async_copy(
                        rows_v.at[nb],
                        out_hbm.at[pl.ds(base, rows_per_phase)],
                        osem[nb],
                    ).wait()

                    @pl.when(g < n_phases // 2 - 1)
                    def _():
                        fire(p + 1, nb)

                drain_gathers(b)
                pltpu.async_copy(
                    rows_v.at[b],
                    out_hbm.at[pl.ds(base + p * rows_per_phase, rows_per_phase)],
                    osem[b],
                )
            return carry

        lax.fori_loop(0, n_phases // 2, group, 0)
        pltpu.make_async_copy(
            rows_v.at[1],
            out_hbm.at[pl.ds(base, rows_per_phase)],
            osem[1],
        ).wait()

    return k


_TB = 4096
_LR = 65536


def _tc_linearize_body(in_ref, out_ref):
    x = in_ref[...]
    q = _LR // 4
    stacked = jnp.concatenate([x[:, i * q:(i + 1) * q] for i in range(4)], axis=0)
    out_ref[...] = stacked.T


@functools.lru_cache(maxsize=None)
def _make_linearize(V, D):
    NB = -(-V // _LR)
    return pl.pallas_call(
        _tc_linearize_body,
        grid=(NB,),
        in_specs=[pl.BlockSpec((D, _LR), lambda j: (0, j))],
        out_specs=pl.BlockSpec((_LR // 4, 128), lambda j: (j, 0)),
        out_shape=jax.ShapeDtypeStruct((NB * _LR // 4, 128), jnp.float32),
    )


def _tc_transpose_body(in_ref, out_ref):
    zt = in_ref[0].T
    for p0 in range(0, 128, 8):
        cg, jp = p0 // 32, (p0 % 32) // 8
        src = jp * 32 + cg * 8
        out_ref[0, p0:p0 + 8, :] = zt[src:src + 8, :]


@functools.lru_cache(maxsize=None)
def _make_transpose(B0, S, D):
    grid = (S, B0 * D // 128 // _TB)
    return pl.pallas_call(
        _tc_transpose_body,
        grid=grid,
        in_specs=[pl.BlockSpec((1, _TB, 128), lambda s, j: (s, j, 0))],
        out_specs=pl.BlockSpec((1, 128, _TB), lambda s, j: (s, 0, j)),
        out_shape=jax.ShapeDtypeStruct((S, 128, B0 * D // 128), jnp.float32),
    )


def kernel(x, table):
    B0, S = x.shape
    V, D = table.shape
    B = B0 * S
    info = plsc.get_sparse_core_info()
    NW = info.num_cores * info.num_subcores
    q = _LR // 4
    xr = x.astype(jnp.int32)
    xr = ((xr // _LR) * q + xr % q) * 4 + (xr % _LR) // q
    idxp = (
        xr.T.reshape(S, 4, B0 // 4)
        .transpose(0, 2, 1)
        .reshape(B // _CH, _CH)
    )
    inter = _make_linearize(V, D)(table.T)
    tbl = inter.reshape(inter.shape[0] * 4, 32)
    flat = _make_gather(B, tbl.shape[0], D, NW, info.num_cores)(idxp, tbl)
    slab = flat.reshape(S, B0 * D // 128, 128)
    out3 = _make_transpose(B0, S, D)(slab)
    t5 = out3.reshape(S, 4, 4, 8, B0 // 4)
    return t5.transpose(2, 4, 0, 1, 3).reshape(B0, S, D)

# --- scband reference (transcript-rebuilt; emitter-appended) ---
"""Pipeline reference for scband-embedder-14869176778968 (READ-ONLY COPY).

The authoritative reference and input builder live on the scoring server;
editing this copy changes nothing except your own understanding.
"""

import jax, jax.numpy as jnp
import numpy as np

# Embedder(input_size=32, hidden_size=1000000):
# since input_size <= hidden_size, table shape = (hidden_size, input_size) = (1000000, 32)

def setup_inputs(seed: int = 0) -> dict:
    key = jax.random.key(seed)
    k1, k2 = jax.random.split(key)
    x = jax.random.randint(k1, (16384, 26), 0, 1000000, dtype=jnp.int64 if jax.config.read('jax_enable_x64') else jnp.int32)
    table = jax.random.normal(k2, (1000000, 32), dtype=jnp.float32)
    return {"x": x, "table": table}

def reference(x, table):
    # nn.Embedding forward: row gather
    out = jnp.take(table, x, axis=0)
    return out

if __name__ == "__main__":
    import jax
    _d = setup_inputs()
    print(jax.jit(kernel)(*tuple(_d.values())))

</pallas_src>

<mosaic_0001>
#map = affine_map<(d0, d1) -> (0, 0)>
module attributes {stable_mosaic.version = 14 : i64} {
  func.func @k(%arg0: i32, %arg1: i32, %arg2: memref<3328x128xi32, #tpu.memory_space<hbm>>, %arg3: memref<1048576x32xf32, #tpu.memory_space<hbm>>, %arg4: memref<425984x32xf32, #tpu.memory_space<hbm>>, %arg5: memref<104x128xi32, #tpu.memory_space<vmem>>, %arg6: memref<2x1664x32xf32, #tpu.memory_space<vmem>>, %arg7: memref<!tpu.dma_semaphore, #tpu.memory_space<semaphore_mem>>, %arg8: memref<!tpu.dma_semaphore, #tpu.memory_space<semaphore_mem>>, %arg9: memref<!tpu.dma_semaphore, #tpu.memory_space<semaphore_mem>>, %arg10: memref<!tpu.dma_semaphore, #tpu.memory_space<semaphore_mem>>) attributes {dimension_semantics = [#tpu.dimension_semantics<core_parallel>, #tpu.dimension_semantics<subcore_parallel>], iteration_bounds = array<i64: 2, 16>, scalar_prefetch = 0 : i64, scratch_operands = 6 : i64, tpu.core_type = #tpu.core_type<sc_vector_subcore>, window_params = [{transform_indices = #map}, {transform_indices = #map}, {transform_indices = #map}]} {
    %mul3A = arith.constant 2 : i32
    %mul3A_0 = arith.muli %arg1, %mul3A : i32
    %add3A = arith.addi %mul3A_0, %arg0 : i32
    %mul3A_1 = arith.constant 13312 : i32
    %mul3A_2 = arith.muli %add3A, %mul3A_1 : i32
    %mul3A_3 = arith.constant 104 : i32
    %mul3A_4 = arith.muli %add3A, %mul3A_3 : i32
    "tpu.region"() ({
      %run_scoped3A = tpu.sem_alloc : memref<!tpu.dma_semaphore, #tpu.memory_space<semaphore_mem>>
      %dma_start3A_216 = arith.constant 0 : i32
      %dma_start3A_217 = tpu.memref_slice %arg2[%mul3A_4, %dma_start3A_216] : memref<3328x128xi32, #tpu.memory_space<hbm>> -> memref<104x128xi32, #tpu.memory_space<hbm>>
      %dma_start3A_218 = arith.constant 0 : i32
      %dma_start3A_219 = tpu.memref_slice %arg2[%mul3A_4, %dma_start3A_218] : memref<3328x128xi32, #tpu.memory_space<hbm>> -> memref<104x128xi32, #tpu.memory_space<hbm>>
      tpu.enqueue_dma source(%dma_start3A_219 : memref<104x128xi32, #tpu.memory_space<hbm>>) target(%arg5 : memref<104x128xi32, #tpu.memory_space<vmem>>) target_semaphore(%run_scoped3A : memref<!tpu.dma_semaphore, #tpu.memory_space<semaphore_mem>>)
      %dma_wait3A_220 = arith.constant 0 : i32
      %dma_wait3A_221 = tpu.memref_slice %arg2[%mul3A_4, %dma_wait3A_220] : memref<3328x128xi32, #tpu.memory_space<hbm>> -> memref<104x128xi32, #tpu.memory_space<hbm>>
      %dma_wait3A_222 = arith.constant 0 : i32
      %dma_wait3A_223 = tpu.memref_slice %arg2[%mul3A_4, %dma_wait3A_222] : memref<3328x128xi32, #tpu.memory_space<hbm>> -> memref<104x128xi32, #tpu.memory_space<hbm>>
      tpu.wait_dma2 semaphore(%run_scoped3A : memref<!tpu.dma_semaphore, #tpu.memory_space<semaphore_mem>>) src(%dma_wait3A_223 : memref<104x128xi32, #tpu.memory_space<hbm>>) dst(%arg5 : memref<104x128xi32, #tpu.memory_space<vmem>>)
      tpu.yield
    }) : () -> ()
    %dma_start3A = arith.constant 0 : i32
    %dma_start3A_5 = arith.constant 0 : i32
    %dma_start3A_6 = arith.constant 0 : i32
    %dma_start3A_7 = arith.constant 0 : i32
    %dma_start3A_8 = tpu.memref_slice %arg6[%dma_start3A_5, %dma_start3A_6, %dma_start3A_7] : memref<2x1664x32xf32, #tpu.memory_space<vmem>> -> memref<1x1664x32xf32, #tpu.memory_space<vmem>>
    %dma_start3A_9 = tpu.memref_squeeze %dma_start3A_8 : memref<1x1664x32xf32, #tpu.memory_space<vmem>> -> memref<1664x32xf32, #tpu.memory_space<vmem>>
    %dma_start3A_10 = arith.constant 0 : i32
    %dma_start3A_11 = arith.constant 0 : i32
    %dma_start3A_12 = tpu.memref_slice %dma_start3A_9[%dma_start3A_10, %dma_start3A_11] : memref<1664x32xf32, #tpu.memory_space<vmem>> -> memref<128x32xf32, #tpu.memory_space<vmem>>
    %dma_start3A_13 = arith.constant 0 : i32
    %dma_start3A_14 = tpu.memref_slice %arg5[%dma_start3A, %dma_start3A_13] : memref<104x128xi32, #tpu.memory_space<vmem>> -> memref<1x128xi32, #tpu.memory_space<vmem>>
    %dma_start3A_15 = tpu.memref_squeeze %dma_start3A_14 : memref<1x128xi32, #tpu.memory_space<vmem>> -> memref<128xi32, #tpu.memory_space<vmem>>
    %dma_start3A_16 = arith.constant 0 : i32
    %dma_start3A_17 = arith.constant 0 : i32
    %dma_start3A_18 = tpu.memref_slice %arg3[%dma_start3A_16, %dma_start3A_17] : memref<1048576x32xf32, #tpu.memory_space<hbm>> -> memref<1048576x32xf32, #tpu.memory_space<hbm>>
    tpu.enqueue_indirect_dma source(%dma_start3A_18 : memref<1048576x32xf32, #tpu.memory_space<hbm>>) target(%dma_start3A_12 : memref<128x32xf32, #tpu.memory_space<vmem>>) offsets(%dma_start3A_15 : memref<128xi32, #tpu.memory_space<vmem>>) semaphore(%arg7 : memref<!tpu.dma_semaphore, #tpu.memory_space<semaphore_mem>>)
    %dma_start3A_19 = arith.constant 1 : i32
    %dma_start3A_20 = arith.constant 0 : i32
    %dma_start3A_21 = arith.constant 0 : i32
    %dma_start3A_22 = arith.constant 0 : i32
    %dma_start3A_23 = tpu.memref_slice %arg6[%dma_start3A_20, %dma_start3A_21, %dma_start3A_22] : memref<2x1664x32xf32, #tpu.memory_space<vmem>> -> memref<1x1664x32xf32, #tpu.memory_space<vmem>>
    %dma_start3A_24 = tpu.memref_squeeze %dma_start3A_23 : memref<1x1664x32xf32, #tpu.memory_space<vmem>> -> memref<1664x32xf32, #tpu.memory_space<vmem>>
    %dma_start3A_25 = arith.constant 128 : i32
    %dma_start3A_26 = arith.constant 0 : i32
    %dma_start3A_27 = tpu.memref_slice %dma_start3A_24[%dma_start3A_25, %dma_start3A_26] : memref<1664x32xf32, #tpu.memory_space<vmem>> -> memref<128x32xf32, #tpu.memory_space<vmem>>
    %dma_start3A_28 = arith.constant 0 : i32
    %dma_start3A_29 = tpu.memref_slice %arg5[%dma_start3A_19, %dma_start3A_28] : memref<104x128xi32, #tpu.memory_space<vmem>> -> memref<1x128xi32, #tpu.memory_space<vmem>>
    %dma_start3A_30 = tpu.memref_squeeze %dma_start3A_29 : memref<1x128xi32, #tpu.memory_space<vmem>> -> memref<128xi32, #tpu.memory_space<vmem>>
    %dma_start3A_31 = arith.constant 0 : i32
    %dma_start3A_32 = arith.constant 0 : i32
    %dma_start3A_33 = tpu.memref_slice %arg3[%dma_start3A_31, %dma_start3A_32] : memref<1048576x32xf32, #tpu.memory_space<hbm>> -> memref<1048576x32xf32, #tpu.memory_space<hbm>>
    tpu.enqueue_indirect_dma source(%dma_start3A_33 : memref<1048576x32xf32, #tpu.memory_space<hbm>>) target(%dma_start3A_27 : memref<128x32xf32, #tpu.memory_space<vmem>>) offsets(%dma_start3A_30 : memref<128xi32, #tpu.memory_space<vmem>>) semaphore(%arg7 : memref<!tpu.dma_semaphore, #tpu.memory_space<semaphore_mem>>)
    %dma_start3A_34 = arith.constant 2 : i32
    %dma_start3A_35 = arith.constant 0 : i32
    %dma_start3A_36 = arith.constant 0 : i32
    %dma_start3A_37 = arith.constant 0 : i32
    %dma_start3A_38 = tpu.memref_slice %arg6[%dma_start3A_35, %dma_start3A_36, %dma_start3A_37] : memref<2x1664x32xf32, #tpu.memory_space<vmem>> -> memref<1x1664x32xf32, #tpu.memory_space<vmem>>
    %dma_start3A_39 = tpu.memref_squeeze %dma_start3A_38 : memref<1x1664x32xf32, #tpu.memory_space<vmem>> -> memref<1664x32xf32, #tpu.memory_space<vmem>>
    %dma_start3A_40 = arith.constant 256 : i32
    %dma_start3A_41 = arith.constant 0 : i32
    %dma_start3A_42 = tpu.memref_slice %dma_start3A_39[%dma_start3A_40, %dma_start3A_41] : memref<1664x32xf32, #tpu.memory_space<vmem>> -> memref<128x32xf32, #tpu.memory_space<vmem>>
    %dma_start3A_43 = arith.constant 0 : i32
    %dma_start3A_44 = tpu.memref_slice %arg5[%dma_start3A_34, %dma_start3A_43] : memref<104x128xi32, #tpu.memory_space<vmem>> -> memref<1x128xi32, #tpu.memory_space<vmem>>
    %dma_start3A_45 = tpu.memref_squeeze %dma_start3A_44 : memref<1x128xi32, #tpu.memory_space<vmem>> -> memref<128xi32, #tpu.memory_space<vmem>>
    %dma_start3A_46 = arith.constant 0 : i32
    %dma_start3A_47 = arith.constant 0 : i32
    %dma_start3A_48 = tpu.memref_slice %arg3[%dma_start3A_46, %dma_start3A_47] : memref<1048576x32xf32, #tpu.memory_space<hbm>> -> memref<1048576x32xf32, #tpu.memory_space<hbm>>
    tpu.enqueue_indirect_dma source(%dma_start3A_48 : memref<1048576x32xf32, #tpu.memory_space<hbm>>) target(%dma_start3A_42 : memref<128x32xf32, #tpu.memory_space<vmem>>) offsets(%dma_start3A_45 : memref<128xi32, #tpu.memory_space<vmem>>) semaphore(%arg7 : memref<!tpu.dma_semaphore, #tpu.memory_space<semaphore_mem>>)
    %dma_start3A_49 = arith.constant 3 : i32
    %dma_start3A_50 = arith.constant 0 : i32
    %dma_start3A_51 = arith.constant 0 : i32
    %dma_start3A_52 = arith.constant 0 : i32
    %dma_start3A_53 = tpu.memref_slice %arg6[%dma_start3A_50, %dma_start3A_51, %dma_start3A_52] : memref<2x1664x32xf32, #tpu.memory_space<vmem>> -> memref<1x1664x32xf32, #tpu.memory_space<vmem>>
    %dma_start3A_54 = tpu.memref_squeeze %dma_start3A_53 : memref<1x1664x32xf32, #tpu.memory_space<vmem>> -> memref<1664x32xf32, #tpu.memory_space<vmem>>
    %dma_start3A_55 = arith.constant 384 : i32
    %dma_start3A_56 = arith.constant 0 : i32
    %dma_start3A_57 = tpu.memref_slice %dma_start3A_54[%dma_start3A_55, %dma_start3A_56] : memref<1664x32xf32, #tpu.memory_space<vmem>> -> memref<128x32xf32, #tpu.memory_space<vmem>>
    %dma_start3A_58 = arith.constant 0 : i32
    %dma_start3A_59 = tpu.memref_slice %arg5[%dma_start3A_49, %dma_start3A_58] : memref<104x128xi32, #tpu.memory_space<vmem>> -> memref<1x128xi32, #tpu.memory_space<vmem>>
    %dma_start3A_60 = tpu.memref_squeeze %dma_start3A_59 : memref<1x128xi32, #tpu.memory_space<vmem>> -> memref<128xi32, #tpu.memory_space<vmem>>
    %dma_start3A_61 = arith.constant 0 : i32
    %dma_start3A_62 = arith.constant 0 : i32
    %dma_start3A_63 = tpu.memref_slice %arg3[%dma_start3A_61, %dma_start3A_62] : memref<1048576x32xf32, #tpu.memory_space<hbm>> -> memref<1048576x32xf32, #tpu.memory_space<hbm>>
    tpu.enqueue_indirect_dma source(%dma_start3A_63 : memref<1048576x32xf32, #tpu.memory_space<hbm>>) target(%dma_start3A_57 : memref<128x32xf32, #tpu.memory_space<vmem>>) offsets(%dma_start3A_60 : memref<128xi32, #tpu.memory_space<vmem>>) semaphore(%arg7 : memref<!tpu.dma_semaphore, #tpu.memory_space<semaphore_mem>>)
    %dma_start3A_64 = arith.constant 4 : i32
    %dma_start3A_65 = arith.constant 0 : i32
    %dma_start3A_66 = arith.constant 0 : i32
    %dma_start3A_67 = arith.constant 0 : i32
    %dma_start3A_68 = tpu.memref_slice %arg6[%dma_start3A_65, %dma_start3A_66, %dma_start3A_67] : memref<2x1664x32xf32, #tpu.memory_space<vmem>> -> memref<1x1664x32xf32, #tpu.memory_space<vmem>>
    %dma_start3A_69 = tpu.memref_squeeze %dma_start3A_68 : memref<1x1664x32xf32, #tpu.memory_space<vmem>> -> memref<1664x32xf32, #tpu.memory_space<vmem>>
    %dma_start3A_70 = arith.constant 512 : i32
    %dma_start3A_71 = arith.constant 0 : i32
    %dma_start3A_72 = tpu.memref_slice %dma_start3A_69[%dma_start3A_70, %dma_start3A_71] : memref<1664x32xf32, #tpu.memory_space<vmem>> -> memref<128x32xf32, #tpu.memory_space<vmem>>
    %dma_start3A_73 = arith.constant 0 : i32
    %dma_start3A_74 = tpu.memref_slice %arg5[%dma_start3A_64, %dma_start3A_73] : memref<104x128xi32, #tpu.memory_space<vmem>> -> memref<1x128xi32, #tpu.memory_space<vmem>>
    %dma_start3A_75 = tpu.memref_squeeze %dma_start3A_74 : memref<1x128xi32, #tpu.memory_space<vmem>> -> memref<128xi32, #tpu.memory_space<vmem>>
    %dma_start3A_76 = arith.constant 0 : i32
    %dma_start3A_77 = arith.constant 0 : i32
    %dma_start3A_78 = tpu.memref_slice %arg3[%dma_start3A_76, %dma_start3A_77] : memref<1048576x32xf32, #tpu.memory_space<hbm>> -> memref<1048576x32xf32, #tpu.memory_space<hbm>>
    tpu.enqueue_indirect_dma source(%dma_start3A_78 : memref<1048576x32xf32, #tpu.memory_space<hbm>>) target(%dma_start3A_72 : memref<128x32xf32, #tpu.memory_space<vmem>>) offsets(%dma_start3A_75 : memref<128xi32, #tpu.memory_space<vmem>>) semaphore(%arg7 : memref<!tpu.dma_semaphore, #tpu.memory_space<semaphore_mem>>)
    %dma_start3A_79 = arith.constant 5 : i32
    %dma_start3A_80 = arith.constant 0 : i32
    %dma_start3A_81 = arith.constant 0 : i32
    %dma_start3A_82 = arith.constant 0 : i32
    %dma_start3A_83 = tpu.memref_slice %arg6[%dma_start3A_80, %dma_start3A_81, %dma_start3A_82] : memref<2x1664x32xf32, #tpu.memory_space<vmem>> -> memref<1x1664x32xf32, #tpu.memory_space<vmem>>
    %dma_start3A_84 = tpu.memref_squeeze %dma_start3A_83 : memref<1x1664x32xf32, #tpu.memory_space<vmem>> -> memref<1664x32xf32, #tpu.memory_space<vmem>>
    %dma_start3A_85 = arith.constant 640 : i32
    %dma_start3A_86 = arith.constant 0 : i32
    %dma_start3A_87 = tpu.memref_slice %dma_start3A_84[%dma_start3A_85, %dma_start3A_86] : memref<1664x32xf32, #tpu.memory_space<vmem>> -> memref<128x32xf32, #tpu.memory_space<vmem>>
    %dma_start3A_88 = arith.constant 0 : i32
    %dma_start3A_89 = tpu.memref_slice %arg5[%dma_start3A_79, %dma_start3A_88] : memref<104x128xi32, #tpu.memory_space<vmem>> -> memref<1x128xi32, #tpu.memory_space<vmem>>
    %dma_start3A_90 = tpu.memref_squeeze %dma_start3A_89 : memref<1x128xi32, #tpu.memory_space<vmem>> -> memref<128xi32, #tpu.memory_space<vmem>>
    %dma_start3A_91 = arith.constant 0 : i32
    %dma_start3A_92 = arith.constant 0 : i32
    %dma_start3A_93 = tpu.memref_slice %arg3[%dma_start3A_91, %dma_start3A_92] : memref<1048576x32xf32, #tpu.memory_space<hbm>> -> memref<1048576x32xf32, #tpu.memory_space<hbm>>
    tpu.enqueue_indirect_dma source(%dma_start3A_93 : memref<1048576x32xf32, #tpu.memory_space<hbm>>) target(%dma_start3A_87 : memref<128x32xf32, #tpu.memory_space<vmem>>) offsets(%dma_start3A_90 : memref<128xi32, #tpu.memory_space<vmem>>) semaphore(%arg7 : memref<!tpu.dma_semaphore, #tpu.memory_space<semaphore_mem>>)
    %dma_start3A_94 = arith.constant 6 : i32
    %dma_start3A_95 = arith.constant 0 : i32
    %dma_start3A_96 = arith.constant 0 : i32
    %dma_start3A_97 = arith.constant 0 : i32
    %dma_start3A_98 = tpu.memref_slice %arg6[%dma_start3A_95, %dma_start3A_96, %dma_start3A_97] : memref<2x1664x32xf32, #tpu.memory_space<vmem>> -> memref<1x1664x32xf32, #tpu.memory_space<vmem>>
    %dma_start3A_99 = tpu.memref_squeeze %dma_start3A_98 : memref<1x1664x32xf32, #tpu.memory_space<vmem>> -> memref<1664x32xf32, #tpu.memory_space<vmem>>
    %dma_start3A_100 = arith.constant 768 : i32
    %dma_start3A_101 = arith.constant 0 : i32
    %dma_start3A_102 = tpu.memref_slice %dma_start3A_99[%dma_start3A_100, %dma_start3A_101] : memref<1664x32xf32, #tpu.memory_space<vmem>> -> memref<128x32xf32, #tpu.memory_space<vmem>>
    %dma_start3A_103 = arith.constant 0 : i32
    %dma_start3A_104 = tpu.memref_slice %arg5[%dma_start3A_94, %dma_start3A_103] : memref<104x128xi32, #tpu.memory_space<vmem>> -> memref<1x128xi32, #tpu.memory_space<vmem>>
    %dma_start3A_105 = tpu.memref_squeeze %dma_start3A_104 : memref<1x128xi32, #tpu.memory_space<vmem>> -> memref<128xi32, #tpu.memory_space<vmem>>
    %dma_start3A_106 = arith.constant 0 : i32
    %dma_start3A_107 = arith.constant 0 : i32
    %dma_start3A_108 = tpu.memref_slice %arg3[%dma_start3A_106, %dma_start3A_107] : memref<1048576x32xf32, #tpu.memory_space<hbm>> -> memref<1048576x32xf32, #tpu.memory_space<hbm>>
    tpu.enqueue_indirect_dma source(%dma_start3A_108 : memref<1048576x32xf32, #tpu.memory_space<hbm>>) target(%dma_start3A_102 : memref<128x32xf32, #tpu.memory_space<vmem>>) offsets(%dma_start3A_105 : memref<128xi32, #tpu.memory_space<vmem>>) semaphore(%arg7 : memref<!tpu.dma_semaphore, #tpu.memory_space<semaphore_mem>>)
    %dma_start3A_109 = arith.constant 7 : i32
    %dma_start3A_110 = arith.constant 0 : i32
    %dma_start3A_111 = arith.constant 0 : i32
    %dma_start3A_112 = arith.constant 0 : i32
    %dma_start3A_113 = tpu.memref_slice %arg6[%dma_start3A_110, %dma_start3A_111, %dma_start3A_112] : memref<2x1664x32xf32, #tpu.memory_space<vmem>> -> memref<1x1664x32xf32, #tpu.memory_space<vmem>>
    %dma_start3A_114 = tpu.memref_squeeze %dma_start3A_113 : memref<1x1664x32xf32, #tpu.memory_space<vmem>> -> memref<1664x32xf32, #tpu.memory_space<vmem>>
    %dma_start3A_115 = arith.constant 896 : i32
    %dma_start3A_116 = arith.constant 0 : i32
    %dma_start3A_117 = tpu.memref_slice %dma_start3A_114[%dma_start3A_115, %dma_start3A_116] : memref<1664x32xf32, #tpu.memory_space<vmem>> -> memref<128x32xf32, #tpu.memory_space<vmem>>
    %dma_start3A_118 = arith.constant 0 : i32
    %dma_start3A_119 = tpu.memref_slice %arg5[%dma_start3A_109, %dma_start3A_118] : memref<104x128xi32, #tpu.memory_space<vmem>> -> memref<1x128xi32, #tpu.memory_space<vmem>>
    %dma_start3A_120 = tpu.memref_squeeze %dma_start3A_119 : memref<1x128xi32, #tpu.memory_space<vmem>> -> memref<128xi32, #tpu.memory_space<vmem>>
    %dma_start3A_121 = arith.constant 0 : i32
    %dma_start3A_122 = arith.constant 0 : i32
    %dma_start3A_123 = tpu.memref_slice %arg3[%dma_start3A_121, %dma_start3A_122] : memref<1048576x32xf32, #tpu.memory_space<hbm>> -> memref<1048576x32xf32, #tpu.memory_space<hbm>>
    tpu.enqueue_indirect_dma source(%dma_start3A_123 : memref<1048576x32xf32, #tpu.memory_space<hbm>>) target(%dma_start3A_117 : memref<128x32xf32, #tpu.memory_space<vmem>>) offsets(%dma_start3A_120 : memref<128xi32, #tpu.memory_space<vmem>>) semaphore(%arg7 : memref<!tpu.dma_semaphore, #tpu.memory_space<semaphore_mem>>)
    %dma_start3A_124 = arith.constant 8 : i32
    %dma_start3A_125 = arith.constant 0 : i32
    %dma_start3A_126 = arith.constant 0 : i32
    %dma_start3A_127 = arith.constant 0 : i32
    %dma_start3A_128 = tpu.memref_slice %arg6[%dma_start3A_125, %dma_start3A_126, %dma_start3A_127] : memref<2x1664x32xf32, #tpu.memory_space<vmem>> -> memref<1x1664x32xf32, #tpu.memory_space<vmem>>
    %dma_start3A_129 = tpu.memref_squeeze %dma_start3A_128 : memref<1x1664x32xf32, #tpu.memory_space<vmem>> -> memref<1664x32xf32, #tpu.memory_space<vmem>>
    %dma_start3A_130 = arith.constant 1024 : i32
    %dma_start3A_131 = arith.constant 0 : i32
    %dma_start3A_132 = tpu.memref_slice %dma_start3A_129[%dma_start3A_130, %dma_start3A_131] : memref<1664x32xf32, #tpu.memory_space<vmem>> -> memref<128x32xf32, #tpu.memory_space<vmem>>
    %dma_start3A_133 = arith.constant 0 : i32
    %dma_start3A_134 = tpu.memref_slice %arg5[%dma_start3A_124, %dma_start3A_133] : memref<104x128xi32, #tpu.memory_space<vmem>> -> memref<1x128xi32, #tpu.memory_space<vmem>>
    %dma_start3A_135 = tpu.memref_squeeze %dma_start3A_134 : memref<1x128xi32, #tpu.memory_space<vmem>> -> memref<128xi32, #tpu.memory_space<vmem>>
    %dma_start3A_136 = arith.constant 0 : i32
    %dma_start3A_137 = arith.constant 0 : i32
    %dma_start3A_138 = tpu.memref_slice %arg3[%dma_start3A_136, %dma_start3A_137] : memref<1048576x32xf32, #tpu.memory_space<hbm>> -> memref<1048576x32xf32, #tpu.memory_space<hbm>>
    tpu.enqueue_indirect_dma source(%dma_start3A_138 : memref<1048576x32xf32, #tpu.memory_space<hbm>>) target(%dma_start3A_132 : memref<128x32xf32, #tpu.memory_space<vmem>>) offsets(%dma_start3A_135 : memref<128xi32, #tpu.memory_space<vmem>>) semaphore(%arg7 : memref<!tpu.dma_semaphore, #tpu.memory_space<semaphore_mem>>)
    %dma_start3A_139 = arith.constant 9 : i32
    %dma_start3A_140 = arith.constant 0 : i32
    %dma_start3A_141 = arith.constant 0 : i32
    %dma_start3A_142 = arith.constant 0 : i32
    %dma_start3A_143 = tpu.memref_slice %arg6[%dma_start3A_140, %dma_start3A_141, %dma_start3A_142] : memref<2x1664x32xf32, #tpu.memory_space<vmem>> -> memref<1x1664x32xf32, #tpu.memory_space<vmem>>
    %dma_start3A_144 = tpu.memref_squeeze %dma_start3A_143 : memref<1x1664x32xf32, #tpu.memory_space<vmem>> -> memref<1664x32xf32, #tpu.memory_space<vmem>>
    %dma_start3A_145 = arith.constant 1152 : i32
    %dma_start3A_146 = arith.constant 0 : i32
    %dma_start3A_147 = tpu.memref_slice %dma_start3A_144[%dma_start3A_145, %dma_start3A_146] : memref<1664x32xf32, #tpu.memory_space<vmem>> -> memref<128x32xf32, #tpu.memory_space<vmem>>
    %dma_start3A_148 = arith.constant 0 : i32
    %dma_start3A_149 = tpu.memref_slice %arg5[%dma_start3A_139, %dma_start3A_148] : memref<104x128xi32, #tpu.memory_space<vmem>> -> memref<1x128xi32, #tpu.memory_space<vmem>>
    %dma_start3A_150 = tpu.memref_squeeze %dma_start3A_149 : memref<1x128xi32, #tpu.memory_space<vmem>> -> memref<128xi32, #tpu.memory_space<vmem>>
    %dma_start3A_151 = arith.constant 0 : i32
    %dma_start3A_152 = arith.constant 0 : i32
    %dma_start3A_153 = tpu.memref_slice %arg3[%dma_start3A_151, %dma_start3A_152] : memref<1048576x32xf32, #tpu.memory_space<hbm>> -> memref<1048576x32xf32, #tpu.memory_space<hbm>>
    tpu.enqueue_indirect_dma source(%dma_start3A_153 : memref<1048576x32xf32, #tpu.memory_space<hbm>>) target(%dma_start3A_147 : memref<128x32xf32, #tpu.memory_space<vmem>>) offsets(%dma_start3A_150 : memref<128xi32, #tpu.memory_space<vmem>>) semaphore(%arg7 : memref<!tpu.dma_semaphore, #tpu.memory_space<semaphore_mem>>)
    %dma_start3A_154 = arith.constant 10 : i32
    %dma_start3A_155 = arith.constant 0 : i32
    %dma_start3A_156 = arith.constant 0 : i32
    %dma_start3A_157 = arith.constant 0 : i32
    %dma_start3A_158 = tpu.memref_slice %arg6[%dma_start3A_155, %dma_start3A_156, %dma_start3A_157] : memref<2x1664x32xf32, #tpu.memory_space<vmem>> -> memref<1x1664x32xf32, #tpu.memory_space<vmem>>
    %dma_start3A_159 = tpu.memref_squeeze %dma_start3A_158 : memref<1x1664x32xf32, #tpu.memory_space<vmem>> -> memref<1664x32xf32, #tpu.memory_space<vmem>>
    %dma_start3A_160 = arith.constant 1280 : i32
    %dma_start3A_161 = arith.constant 0 : i32
    %dma_start3A_162 = tpu.memref_slice %dma_start3A_159[%dma_start3A_160, %dma_start3A_161] : memref<1664x32xf32, #tpu.memory_space<vmem>> -> memref<128x32xf32, #tpu.memory_space<vmem>>
    %dma_start3A_163 = arith.constant 0 : i32
    %dma_start3A_164 = tpu.memref_slice %arg5[%dma_start3A_154, %dma_start3A_163] : memref<104x128xi32, #tpu.memory_space<vmem>> -> memref<1x128xi32, #tpu.memory_space<vmem>>
    %dma_start3A_165 = tpu.memref_squeeze %dma_start3A_164 : memref<1x128xi32, #tpu.memory_space<vmem>> -> memref<128xi32, #tpu.memory_space<vmem>>
    %dma_start3A_166 = arith.constant 0 : i32
    %dma_start3A_167 = arith.constant 0 : i32
    %dma_start3A_168 = tpu.memref_slice %arg3[%dma_start3A_166, %dma_start3A_167] : memref<1048576x32xf32, #tpu.memory_space<hbm>> -> memref<1048576x32xf32, #tpu.memory_space<hbm>>
    tpu.enqueue_indirect_dma source(%dma_start3A_168 : memref<1048576x32xf32, #tpu.memory_space<hbm>>) target(%dma_start3A_162 : memref<128x32xf32, #tpu.memory_space<vmem>>) offsets(%dma_start3A_165 : memref<128xi32, #tpu.memory_space<vmem>>) semaphore(%arg7 : memref<!tpu.dma_semaphore, #tpu.memory_space<semaphore_mem>>)
    %dma_start3A_169 = arith.constant 11 : i32
    %dma_start3A_170 = arith.constant 0 : i32
    %dma_start3A_171 = arith.constant 0 : i32
    %dma_start3A_172 = arith.constant 0 : i32
    %dma_start3A_173 = tpu.memref_slice %arg6[%dma_start3A_170, %dma_start3A_171, %dma_start3A_172] : memref<2x1664x32xf32, #tpu.memory_space<vmem>> -> memref<1x1664x32xf32, #tpu.memory_space<vmem>>
    %dma_start3A_174 = tpu.memref_squeeze %dma_start3A_173 : memref<1x1664x32xf32, #tpu.memory_space<vmem>> -> memref<1664x32xf32, #tpu.memory_space<vmem>>
    %dma_start3A_175 = arith.constant 1408 : i32
    %dma_start3A_176 = arith.constant 0 : i32
    %dma_start3A_177 = tpu.memref_slice %dma_start3A_174[%dma_start3A_175, %dma_start3A_176] : memref<1664x32xf32, #tpu.memory_space<vmem>> -> memref<128x32xf32, #tpu.memory_space<vmem>>
    %dma_start3A_178 = arith.constant 0 : i32
    %dma_start3A_179 = tpu.memref_slice %arg5[%dma_start3A_169, %dma_start3A_178] : memref<104x128xi32, #tpu.memory_space<vmem>> -> memref<1x128xi32, #tpu.memory_space<vmem>>
    %dma_start3A_180 = tpu.memref_squeeze %dma_start3A_179 : memref<1x128xi32, #tpu.memory_space<vmem>> -> memref<128xi32, #tpu.memory_space<vmem>>
    %dma_start3A_181 = arith.constant 0 : i32
    %dma_start3A_182 = arith.constant 0 : i32
    %dma_start3A_183 = tpu.memref_slice %arg3[%dma_start3A_181, %dma_start3A_182] : memref<1048576x32xf32, #tpu.memory_space<hbm>> -> memref<1048576x32xf32, #tpu.memory_space<hbm>>
    tpu.enqueue_indirect_dma source(%dma_start3A_183 : memref<1048576x32xf32, #tpu.memory_space<hbm>>) target(%dma_start3A_177 : memref<128x32xf32, #tpu.memory_space<vmem>>) offsets(%dma_start3A_180 : memref<128xi32, #tpu.memory_space<vmem>>) semaphore(%arg7 : memref<!tpu.dma_semaphore, #tpu.memory_space<semaphore_mem>>)
    %dma_start3A_184 = arith.constant 12 : i32
    %dma_start3A_185 = arith.constant 0 : i32
    %dma_start3A_186 = arith.constant 0 : i32
    %dma_start3A_187 = arith.constant 0 : i32
    %dma_start3A_188 = tpu.memref_slice %arg6[%dma_start3A_185, %dma_start3A_186, %dma_start3A_187] : memref<2x1664x32xf32, #tpu.memory_space<vmem>> -> memref<1x1664x32xf32, #tpu.memory_space<vmem>>
    %dma_start3A_189 = tpu.memref_squeeze %dma_start3A_188 : memref<1x1664x32xf32, #tpu.memory_space<vmem>> -> memref<1664x32xf32, #tpu.memory_space<vmem>>
    %dma_start3A_190 = arith.constant 1536 : i32
    %dma_start3A_191 = arith.constant 0 : i32
    %dma_start3A_192 = tpu.memref_slice %dma_start3A_189[%dma_start3A_190, %dma_start3A_191] : memref<1664x32xf32, #tpu.memory_space<vmem>> -> memref<128x32xf32, #tpu.memory_space<vmem>>
    %dma_start3A_193 = arith.constant 0 : i32
    %dma_start3A_194 = tpu.memref_slice %arg5[%dma_start3A_184, %dma_start3A_193] : memref<104x128xi32, #tpu.memory_space<vmem>> -> memref<1x128xi32, #tpu.memory_space<vmem>>
    %dma_start3A_195 = tpu.memref_squeeze %dma_start3A_194 : memref<1x128xi32, #tpu.memory_space<vmem>> -> memref<128xi32, #tpu.memory_space<vmem>>
    %dma_start3A_196 = arith.constant 0 : i32
    %dma_start3A_197 = arith.constant 0 : i32
    %dma_start3A_198 = tpu.memref_slice %arg3[%dma_start3A_196, %dma_start3A_197] : memref<1048576x32xf32, #tpu.memory_space<hbm>> -> memref<1048576x32xf32, #tpu.memory_space<hbm>>
    tpu.enqueue_indirect_dma source(%dma_start3A_198 : memref<1048576x32xf32, #tpu.memory_space<hbm>>) target(%dma_start3A_192 : memref<128x32xf32, #tpu.memory_space<vmem>>) offsets(%dma_start3A_195 : memref<128xi32, #tpu.memory_space<vmem>>) semaphore(%arg7 : memref<!tpu.dma_semaphore, #tpu.memory_space<semaphore_mem>>)
    %scan3A = arith.constant 0 : i32
    %scan3A_199 = arith.constant 0 : i32
    %scan3A_200 = arith.constant 4 : i32
    %scan3A_201 = arith.addi %scan3A_199, %scan3A_200 : i32
    %scan3A_202 = arith.constant 1 : i32
    scf.for %scan3A_216 = %scan3A_199 to %scan3A_201 step %scan3A_202  : i32 {
      %mul3A_217 = arith.constant 2 : i32
      %mul3A_218 = arith.muli %mul3A_217, %scan3A_216 : i32
      %add3A_219 = arith.constant 0 : i32
      %add3A_220 = arith.addi %mul3A_218, %add3A_219 : i32
      %gt3A = arith.constant 0 : i32
      %gt3A_221 = arith.cmpi sgt, %scan3A_216, %gt3A : i32
      %convert_element_type3A = arith.extui %gt3A_221 : i1 to i32
      %cond3A = arith.constant 0 : i32
      %cond3A_222 = arith.cmpi ne, %convert_element_type3A, %cond3A : i32
      scf.if %cond3A_222 {
        %dma_wait3A_902 = arith.constant 1 : i32
        %dma_wait3A_903 = arith.constant 0 : i32
        %dma_wait3A_904 = arith.constant 0 : i32
        %dma_wait3A_905 = tpu.memref_slice %arg6[%dma_wait3A_902, %dma_wait3A_903, %dma_wait3A_904] : memref<2x1664x32xf32, #tpu.memory_space<vmem>> -> memref<1x1664x32xf32, #tpu.memory_space<vmem>>
        %dma_wait3A_906 = tpu.memref_squeeze %dma_wait3A_905 : memref<1x1664x32xf32, #tpu.memory_space<vmem>> -> memref<1664x32xf32, #tpu.memory_space<vmem>>
        %dma_wait3A_907 = arith.constant 0 : i32
        %dma_wait3A_908 = tpu.memref_slice %arg4[%mul3A_2, %dma_wait3A_907] : memref<425984x32xf32, #tpu.memory_space<hbm>> -> memref<1664x32xf32, #tpu.memory_space<hbm>>
        %dma_wait3A_909 = arith.constant 0 : i32
        %dma_wait3A_910 = tpu.memref_slice %arg4[%mul3A_2, %dma_wait3A_909] : memref<425984x32xf32, #tpu.memory_space<hbm>> -> memref<1664x32xf32, #tpu.memory_space<hbm>>
        %dma_wait3A_911 = arith.constant 0 : i32
        %dma_wait3A_912 = arith.constant 0 : i32
        %dma_wait3A_913 = tpu.memref_slice %arg6[%dma_wait3A_902, %dma_wait3A_911, %dma_wait3A_912] : memref<2x1664x32xf32, #tpu.memory_space<vmem>> -> memref<1x1664x32xf32, #tpu.memory_space<vmem>>
        %dma_wait3A_914 = tpu.memref_squeeze %dma_wait3A_913 : memref<1x1664x32xf32, #tpu.memory_space<vmem>> -> memref<1664x32xf32, #tpu.memory_space<vmem>>
        tpu.wait_dma2 semaphore(%arg10 : memref<!tpu.dma_semaphore, #tpu.memory_space<semaphore_mem>>) src(%dma_wait3A_914 : memref<1664x32xf32, #tpu.memory_space<vmem>>) dst(%dma_wait3A_910 : memref<1664x32xf32, #tpu.memory_space<hbm>>)
      } else {
      }
      %add3A_223 = arith.constant 1 : i32
      %add3A_224 = arith.addi %add3A_220, %add3A_223 : i32
      %mul3A_225 = arith.constant 13 : i32
      %mul3A_226 = arith.muli %add3A_224, %mul3A_225 : i32
      %add3A_227 = arith.constant 0 : i32
      %add3A_228 = arith.addi %mul3A_226, %add3A_227 : i32
      %dma_start3A_229 = arith.constant 1 : i32
      %dma_start3A_230 = arith.constant 0 : i32
      %dma_start3A_231 = arith.constant 0 : i32
      %dma_start3A_232 = tpu.memref_slice %arg6[%dma_start3A_229, %dma_start3A_230, %dma_start3A_231] : memref<2x1664x32xf32, #tpu.memory_space<vmem>> -> memref<1x1664x32xf32, #tpu.memory_space<vmem>>
      %dma_start3A_233 = tpu.memref_squeeze %dma_start3A_232 : memref<1x1664x32xf32, #tpu.memory_space<vmem>> -> memref<1664x32xf32, #tpu.memory_space<vmem>>
      %dma_start3A_234 = arith.constant 0 : i32
      %dma_start3A_235 = arith.constant 0 : i32
      %dma_start3A_236 = tpu.memref_slice %dma_start3A_233[%dma_start3A_234, %dma_start3A_235] : memref<1664x32xf32, #tpu.memory_space<vmem>> -> memref<128x32xf32, #tpu.memory_space<vmem>>
      %dma_start3A_237 = arith.constant 0 : i32
      %dma_start3A_238 = tpu.memref_slice %arg5[%add3A_228, %dma_start3A_237] : memref<104x128xi32, #tpu.memory_space<vmem>> -> memref<1x128xi32, #tpu.memory_space<vmem>>
      %dma_start3A_239 = tpu.memref_squeeze %dma_start3A_238 : memref<1x128xi32, #tpu.memory_space<vmem>> -> memref<128xi32, #tpu.memory_space<vmem>>
      %dma_start3A_240 = arith.constant 0 : i32
      %dma_start3A_241 = arith.constant 0 : i32
      %dma_start3A_242 = tpu.memref_slice %arg3[%dma_start3A_240, %dma_start3A_241] : memref<1048576x32xf32, #tpu.memory_space<hbm>> -> memref<1048576x32xf32, #tpu.memory_space<hbm>>
      tpu.enqueue_indirect_dma source(%dma_start3A_242 : memref<1048576x32xf32, #tpu.memory_space<hbm>>) target(%dma_start3A_236 : memref<128x32xf32, #tpu.memory_space<vmem>>) offsets(%dma_start3A_239 : memref<128xi32, #tpu.memory_space<vmem>>) semaphore(%arg8 : memref<!tpu.dma_semaphore, #tpu.memory_space<semaphore_mem>>)
      %mul3A_243 = arith.constant 13 : i32
      %mul3A_244 = arith.muli %add3A_224, %mul3A_243 : i32
      %add3A_245 = arith.constant 1 : i32
      %add3A_246 = arith.addi %mul3A_244, %add3A_245 : i32
      %dma_start3A_247 = arith.constant 1 : i32
      %dma_start3A_248 = arith.constant 0 : i32
      %dma_start3A_249 = arith.constant 0 : i32
      %dma_start3A_250 = tpu.memref_slice %arg6[%dma_start3A_247, %dma_start3A_248, %dma_start3A_249] : memref<2x1664x32xf32, #tpu.memory_space<vmem>> -> memref<1x1664x32xf32, #tpu.memory_space<vmem>>
      %dma_start3A_251 = tpu.memref_squeeze %dma_start3A_250 : memref<1x1664x32xf32, #tpu.memory_space<vmem>> -> memref<1664x32xf32, #tpu.memory_space<vmem>>
      %dma_start3A_252 = arith.constant 128 : i32
      %dma_start3A_253 = arith.constant 0 : i32
      %dma_start3A_254 = tpu.memref_slice %dma_start3A_251[%dma_start3A_252, %dma_start3A_253] : memref<1664x32xf32, #tpu.memory_space<vmem>> -> memref<128x32xf32, #tpu.memory_space<vmem>>
      %dma_start3A_255 = arith.constant 0 : i32
      %dma_start3A_256 = tpu.memref_slice %arg5[%add3A_246, %dma_start3A_255] : memref<104x128xi32, #tpu.memory_space<vmem>> -> memref<1x128xi32, #tpu.memory_space<vmem>>
      %dma_start3A_257 = tpu.memref_squeeze %dma_start3A_256 : memref<1x128xi32, #tpu.memory_space<vmem>> -> memref<128xi32, #tpu.memory_space<vmem>>
      %dma_start3A_258 = arith.constant 0 : i32
      %dma_start3A_259 = arith.constant 0 : i32
      %dma_start3A_260 = tpu.memref_slice %arg3[%dma_start3A_258, %dma_start3A_259] : memref<1048576x32xf32, #tpu.memory_space<hbm>> -> memref<1048576x32xf32, #tpu.memory_space<hbm>>
      tpu.enqueue_indirect_dma source(%dma_start3A_260 : memref<1048576x32xf32, #tpu.memory_space<hbm>>) target(%dma_start3A_254 : memref<128x32xf32, #tpu.memory_space<vmem>>) offsets(%dma_start3A_257 : memref<128xi32, #tpu.memory_space<vmem>>) semaphore(%arg8 : memref<!tpu.dma_semaphore, #tpu.memory_space<semaphore_mem>>)
      %mul3A_261 = arith.constant 13 : i32
      %mul3A_262 = arith.muli %add3A_224, %mul3A_261 : i32
      %add3A_263 = arith.constant 2 : i32
      %add3A_264 = arith.addi %mul3A_262, %add3A_263 : i32
      %dma_start3A_265 = arith.constant 1 : i32
      %dma_start3A_266 = arith.constant 0 : i32
      %dma_start3A_267 = arith.constant 0 : i32
      %dma_start3A_268 = tpu.memref_slice %arg6[%dma_start3A_265, %dma_start3A_266, %dma_start3A_267] : memref<2x1664x32xf32, #tpu.memory_space<vmem>> -> memref<1x1664x32xf32, #tpu.memory_space<vmem>>
      %dma_start3A_269 = tpu.memref_squeeze %dma_start3A_268 : memref<1x1664x32xf32, #tpu.memory_space<vmem>> -> memref<1664x32xf32, #tpu.memory_space<vmem>>
      %dma_start3A_270 = arith.constant 256 : i32
      %dma_start3A_271 = arith.constant 0 : i32
      %dma_start3A_272 = tpu.memref_slice %dma_start3A_269[%dma_start3A_270, %dma_start3A_271] : memref<1664x32xf32, #tpu.memory_space<vmem>> -> memref<128x32xf32, #tpu.memory_space<vmem>>
      %dma_start3A_273 = arith.constant 0 : i32
      %dma_start3A_274 = tpu.memref_slice %arg5[%add3A_264, %dma_start3A_273] : memref<104x128xi32, #tpu.memory_space<vmem>> -> memref<1x128xi32, #tpu.memory_space<vmem>>
      %dma_start3A_275 = tpu.memref_squeeze %dma_start3A_274 : memref<1x128xi32, #tpu.memory_space<vmem>> -> memref<128xi32, #tpu.memory_space<vmem>>
      %dma_start3A_276 = arith.constant 0 : i32
      %dma_start3A_277 = arith.constant 0 : i32
      %dma_start3A_278 = tpu.memref_slice %arg3[%dma_start3A_276, %dma_start3A_277] : memref<1048576x32xf32, #tpu.memory_space<hbm>> -> memref<1048576x32xf32, #tpu.memory_space<hbm>>
      tpu.enqueue_indirect_dma source(%dma_start3A_278 : memref<1048576x32xf32, #tpu.memory_space<hbm>>) target(%dma_start3A_272 : memref<128x32xf32, #tpu.memory_space<vmem>>) offsets(%dma_start3A_275 : memref<128xi32, #tpu.memory_space<vmem>>) semaphore(%arg8 : memref<!tpu.dma_semaphore, #tpu.memory_space<semaphore_mem>>)
      %mul3A_279 = arith.constant 13 : i32
      %mul3A_280 = arith.muli %add3A_224, %mul3A_279 : i32
      %add3A_281 = arith.constant 3 : i32
      %add3A_282 = arith.addi %mul3A_280, %add3A_281 : i32
      %dma_start3A_283 = arith.constant 1 : i32
      %dma_start3A_284 = arith.constant 0 : i32
      %dma_start3A_285 = arith.constant 0 : i32
      %dma_start3A_286 = tpu.memref_slice %arg6[%dma_start3A_283, %dma_start3A_284, %dma_start3A_285] : memref<2x1664x32xf32, #tpu.memory_space<vmem>> -> memref<1x1664x32xf32, #tpu.memory_space<vmem>>
      %dma_start3A_287 = tpu.memref_squeeze %dma_start3A_286 : memref<1x1664x32xf32, #tpu.memory_space<vmem>> -> memref<1664x32xf32, #tpu.memory_space<vmem>>
      %dma_start3A_288 = arith.constant 384 : i32
      %dma_start3A_289 = arith.constant 0 : i32
      %dma_start3A_290 = tpu.memref_slice %dma_start3A_287[%dma_start3A_288, %dma_start3A_289] : memref<1664x32xf32, #tpu.memory_space<vmem>> -> memref<128x32xf32, #tpu.memory_space<vmem>>
      %dma_start3A_291 = arith.constant 0 : i32
      %dma_start3A_292 = tpu.memref_slice %arg5[%add3A_282, %dma_start3A_291] : memref<104x128xi32, #tpu.memory_space<vmem>> -> memref<1x128xi32, #tpu.memory_space<vmem>>
      %dma_start3A_293 = tpu.memref_squeeze %dma_start3A_292 : memref<1x128xi32, #tpu.memory_space<vmem>> -> memref<128xi32, #tpu.memory_space<vmem>>
      %dma_start3A_294 = arith.constant 0 : i32
      %dma_start3A_295 = arith.constant 0 : i32
      %dma_start3A_296 = tpu.memref_slice %arg3[%dma_start3A_294, %dma_start3A_295] : memref<1048576x32xf32, #tpu.memory_space<hbm>> -> memref<1048576x32xf32, #tpu.memory_space<hbm>>
      tpu.enqueue_indirect_dma source(%dma_start3A_296 : memref<1048576x32xf32, #tpu.memory_space<hbm>>) target(%dma_start3A_290 : memref<128x32xf32, #tpu.memory_space<vmem>>) offsets(%dma_start3A_293 : memref<128xi32, #tpu.memory_space<vmem>>) semaphore(%arg8 : memref<!tpu.dma_semaphore, #tpu.memory_space<semaphore_mem>>)
      %mul3A_297 = arith.constant 13 : i32
      %mul3A_298 = arith.muli %add3A_224, %mul3A_297 : i32
      %add3A_299 = arith.constant 4 : i32
      %add3A_300 = arith.addi %mul3A_298, %add3A_299 : i32
      %dma_start3A_301 = arith.constant 1 : i32
      %dma_start3A_302 = arith.constant 0 : i32
      %dma_start3A_303 = arith.constant 0 : i32
      %dma_start3A_304 = tpu.memref_slice %arg6[%dma_start3A_301, %dma_start3A_302, %dma_start3A_303] : memref<2x1664x32xf32, #tpu.memory_space<vmem>> -> memref<1x1664x32xf32, #tpu.memory_space<vmem>>
      %dma_start3A_305 = tpu.memref_squeeze %dma_start3A_304 : memref<1x1664x32xf32, #tpu.memory_space<vmem>> -> memref<1664x32xf32, #tpu.memory_space<vmem>>
      %dma_start3A_306 = arith.constant 512 : i32
      %dma_start3A_307 = arith.constant 0 : i32
      %dma_start3A_308 = tpu.memref_slice %dma_start3A_305[%dma_start3A_306, %dma_start3A_307] : memref<1664x32xf32, #tpu.memory_space<vmem>> -> memref<128x32xf32, #tpu.memory_space<vmem>>
      %dma_start3A_309 = arith.constant 0 : i32
      %dma_start3A_310 = tpu.memref_slice %arg5[%add3A_300, %dma_start3A_309] : memref<104x128xi32, #tpu.memory_space<vmem>> -> memref<1x128xi32, #tpu.memory_space<vmem>>
      %dma_start3A_311 = tpu.memref_squeeze %dma_start3A_310 : memref<1x128xi32, #tpu.memory_space<vmem>> -> memref<128xi32, #tpu.memory_space<vmem>>
      %dma_start3A_312 = arith.constant 0 : i32
      %dma_start3A_313 = arith.constant 0 : i32
      %dma_start3A_314 = tpu.memref_slice %arg3[%dma_start3A_312, %dma_start3A_313] : memref<1048576x32xf32, #tpu.memory_space<hbm>> -> memref<1048576x32xf32, #tpu.memory_space<hbm>>
      tpu.enqueue_indirect_dma source(%dma_start3A_314 : memref<1048576x32xf32, #tpu.memory_space<hbm>>) target(%dma_start3A_308 : memref<128x32xf32, #tpu.memory_space<vmem>>) offsets(%dma_start3A_311 : memref<128xi32, #tpu.memory_space<vmem>>) semaphore(%arg8 : memref<!tpu.dma_semaphore, #tpu.memory_space<semaphore_mem>>)
      %mul3A_315 = arith.constant 13 : i32
      %mul3A_316 = arith.muli %add3A_224, %mul3A_315 : i32
      %add3A_317 = arith.constant 5 : i32
      %add3A_318 = arith.addi %mul3A_316, %add3A_317 : i32
      %dma_start3A_319 = arith.constant 1 : i32
      %dma_start3A_320 = arith.constant 0 : i32
      %dma_start3A_321 = arith.constant 0 : i32
      %dma_start3A_322 = tpu.memref_slice %arg6[%dma_start3A_319, %dma_start3A_320, %dma_start3A_321] : memref<2x1664x32xf32, #tpu.memory_space<vmem>> -> memref<1x1664x32xf32, #tpu.memory_space<vmem>>
      %dma_start3A_323 = tpu.memref_squeeze %dma_start3A_322 : memref<1x1664x32xf32, #tpu.memory_space<vmem>> -> memref<1664x32xf32, #tpu.memory_space<vmem>>
      %dma_start3A_324 = arith.constant 640 : i32
      %dma_start3A_325 = arith.constant 0 : i32
      %dma_start3A_326 = tpu.memref_slice %dma_start3A_323[%dma_start3A_324, %dma_start3A_325] : memref<1664x32xf32, #tpu.memory_space<vmem>> -> memref<128x32xf32, #tpu.memory_space<vmem>>
      %dma_start3A_327 = arith.constant 0 : i32
      %dma_start3A_328 = tpu.memref_slice %arg5[%add3A_318, %dma_start3A_327] : memref<104x128xi32, #tpu.memory_space<vmem>> -> memref<1x128xi32, #tpu.memory_space<vmem>>
      %dma_start3A_329 = tpu.memref_squeeze %dma_start3A_328 : memref<1x128xi32, #tpu.memory_space<vmem>> -> memref<128xi32, #tpu.memory_space<vmem>>
      %dma_start3A_330 = arith.constant 0 : i32
      %dma_start3A_331 = arith.constant 0 : i32
      %dma_start3A_332 = tpu.memref_slice %arg3[%dma_start3A_330, %dma_start3A_331] : memref<1048576x32xf32, #tpu.memory_space<hbm>> -> memref<1048576x32xf32, #tpu.memory_space<hbm>>
      tpu.enqueue_indirect_dma source(%dma_start3A_332 : memref<1048576x32xf32, #tpu.memory_space<hbm>>) target(%dma_start3A_326 : memref<128x32xf32, #tpu.memory_space<vmem>>) offsets(%dma_start3A_329 : memref<128xi32, #tpu.memory_space<vmem>>) semaphore(%arg8 : memref<!tpu.dma_semaphore, #tpu.memory_space<semaphore_mem>>)
      %mul3A_333 = arith.constant 13 : i32
      %mul3A_334 = arith.muli %add3A_224, %mul3A_333 : i32
      %add3A_335 = arith.constant 6 : i32
      %add3A_336 = arith.addi %mul3A_334, %add3A_335 : i32
      %dma_start3A_337 = arith.constant 1 : i32
      %dma_start3A_338 = arith.constant 0 : i32
      %dma_start3A_339 = arith.constant 0 : i32
      %dma_start3A_340 = tpu.memref_slice %arg6[%dma_start3A_337, %dma_start3A_338, %dma_start3A_339] : memref<2x1664x32xf32, #tpu.memory_space<vmem>> -> memref<1x1664x32xf32, #tpu.memory_space<vmem>>
      %dma_start3A_341 = tpu.memref_squeeze %dma_start3A_340 : memref<1x1664x32xf32, #tpu.memory_space<vmem>> -> memref<1664x32xf32, #tpu.memory_space<vmem>>
      %dma_start3A_342 = arith.constant 768 : i32
      %dma_start3A_343 = arith.constant 0 : i32
      %dma_start3A_344 = tpu.memref_slice %dma_start3A_341[%dma_start3A_342, %dma_start3A_343] : memref<1664x32xf32, #tpu.memory_space<vmem>> -> memref<128x32xf32, #tpu.memory_space<vmem>>
      %dma_start3A_345 = arith.constant 0 : i32
      %dma_start3A_346 = tpu.memref_slice %arg5[%add3A_336, %dma_start3A_345] : memref<104x128xi32, #tpu.memory_space<vmem>> -> memref<1x128xi32, #tpu.memory_space<vmem>>
      %dma_start3A_347 = tpu.memref_squeeze %dma_start3A_346 : memref<1x128xi32, #tpu.memory_space<vmem>> -> memref<128xi32, #tpu.memory_space<vmem>>
      %dma_start3A_348 = arith.constant 0 : i32
      %dma_start3A_349 = arith.constant 0 : i32
      %dma_start3A_350 = tpu.memref_slice %arg3[%dma_start3A_348, %dma_start3A_349] : memref<1048576x32xf32, #tpu.memory_space<hbm>> -> memref<1048576x32xf32, #tpu.memory_space<hbm>>
      tpu.enqueue_indirect_dma source(%dma_start3A_350 : memref<1048576x32xf32, #tpu.memory_space<hbm>>) target(%dma_start3A_344 : memref<128x32xf32, #tpu.memory_space<vmem>>) offsets(%dma_start3A_347 : memref<128xi32, #tpu.memory_space<vmem>>) semaphore(%arg8 : memref<!tpu.dma_semaphore, #tpu.memory_space<semaphore_mem>>)
      %mul3A_351 = arith.constant 13 : i32
      %mul3A_352 = arith.muli %add3A_224, %mul3A_351 : i32
      %add3A_353 = arith.constant 7 : i32
      %add3A_354 = arith.addi %mul3A_352, %add3A_353 : i32
      %dma_start3A_355 = arith.constant 1 : i32
      %dma_start3A_356 = arith.constant 0 : i32
      %dma_start3A_357 = arith.constant 0 : i32
      %dma_start3A_358 = tpu.memref_slice %arg6[%dma_start3A_355, %dma_start3A_356, %dma_start3A_357] : memref<2x1664x32xf32, #tpu.memory_space<vmem>> -> memref<1x1664x32xf32, #tpu.memory_space<vmem>>
      %dma_start3A_359 = tpu.memref_squeeze %dma_start3A_358 : memref<1x1664x32xf32, #tpu.memory_space<vmem>> -> memref<1664x32xf32, #tpu.memory_space<vmem>>
      %dma_start3A_360 = arith.constant 896 : i32
      %dma_start3A_361 = arith.constant 0 : i32
      %dma_start3A_362 = tpu.memref_slice %dma_start3A_359[%dma_start3A_360, %dma_start3A_361] : memref<1664x32xf32, #tpu.memory_space<vmem>> -> memref<128x32xf32, #tpu.memory_space<vmem>>
      %dma_start3A_363 = arith.constant 0 : i32
      %dma_start3A_364 = tpu.memref_slice %arg5[%add3A_354, %dma_start3A_363] : memref<104x128xi32, #tpu.memory_space<vmem>> -> memref<1x128xi32, #tpu.memory_space<vmem>>
      %dma_start3A_365 = tpu.memref_squeeze %dma_start3A_364 : memref<1x128xi32, #tpu.memory_space<vmem>> -> memref<128xi32, #tpu.memory_space<vmem>>
      %dma_start3A_366 = arith.constant 0 : i32
      %dma_start3A_367 = arith.constant 0 : i32
      %dma_start3A_368 = tpu.memref_slice %arg3[%dma_start3A_366, %dma_start3A_367] : memref<1048576x32xf32, #tpu.memory_space<hbm>> -> memref<1048576x32xf32, #tpu.memory_space<hbm>>
      tpu.enqueue_indirect_dma source(%dma_start3A_368 : memref<1048576x32xf32, #tpu.memory_space<hbm>>) target(%dma_start3A_362 : memref<128x32xf32, #tpu.memory_space<vmem>>) offsets(%dma_start3A_365 : memref<128xi32, #tpu.memory_space<vmem>>) semaphore(%arg8 : memref<!tpu.dma_semaphore, #tpu.memory_space<semaphore_mem>>)
      %mul3A_369 = arith.constant 13 : i32
      %mul3A_370 = arith.muli %add3A_224, %mul3A_369 : i32
      %add3A_371 = arith.constant 8 : i32
      %add3A_372 = arith.addi %mul3A_370, %add3A_371 : i32
      %dma_start3A_373 = arith.constant 1 : i32
      %dma_start3A_374 = arith.constant 0 : i32
      %dma_start3A_375 = arith.constant 0 : i32
      %dma_start3A_376 = tpu.memref_slice %arg6[%dma_start3A_373, %dma_start3A_374, %dma_start3A_375] : memref<2x1664x32xf32, #tpu.memory_space<vmem>> -> memref<1x1664x32xf32, #tpu.memory_space<vmem>>
      %dma_start3A_377 = tpu.memref_squeeze %dma_start3A_376 : memref<1x1664x32xf32, #tpu.memory_space<vmem>> -> memref<1664x32xf32, #tpu.memory_space<vmem>>
      %dma_start3A_378 = arith.constant 1024 : i32
      %dma_start3A_379 = arith.constant 0 : i32
      %dma_start3A_380 = tpu.memref_slice %dma_start3A_377[%dma_start3A_378, %dma_start3A_379] : memref<1664x32xf32, #tpu.memory_space<vmem>> -> memref<128x32xf32, #tpu.memory_space<vmem>>
      %dma_start3A_381 = arith.constant 0 : i32
      %dma_start3A_382 = tpu.memref_slice %arg5[%add3A_372, %dma_start3A_381] : memref<104x128xi32, #tpu.memory_space<vmem>> -> memref<1x128xi32, #tpu.memory_space<vmem>>
      %dma_start3A_383 = tpu.memref_squeeze %dma_start3A_382 : memref<1x128xi32, #tpu.memory_space<vmem>> -> memref<128xi32, #tpu.memory_space<vmem>>
      %dma_start3A_384 = arith.constant 0 : i32
      %dma_start3A_385 = arith.constant 0 : i32
      %dma_start3A_386 = tpu.memref_slice %arg3[%dma_start3A_384, %dma_start3A_385] : memref<1048576x32xf32, #tpu.memory_space<hbm>> -> memref<1048576x32xf32, #tpu.memory_space<hbm>>
      tpu.enqueue_indirect_dma source(%dma_start3A_386 : memref<1048576x32xf32, #tpu.memory_space<hbm>>) target(%dma_start3A_380 : memref<128x32xf32, #tpu.memory_space<vmem>>) offsets(%dma_start3A_383 : memref<128xi32, #tpu.memory_space<vmem>>) semaphore(%arg8 : memref<!tpu.dma_semaphore, #tpu.memory_space<semaphore_mem>>)
      %mul3A_387 = arith.constant 13 : i32
      %mul3A_388 = arith.muli %add3A_224, %mul3A_387 : i32
      %add3A_389 = arith.constant 9 : i32
      %add3A_390 = arith.addi %mul3A_388, %add3A_389 : i32
      %dma_start3A_391 = arith.constant 1 : i32
      %dma_start3A_392 = arith.constant 0 : i32
      %dma_start3A_393 = arith.constant 0 : i32
      %dma_start3A_394 = tpu.memref_slice %arg6[%dma_start3A_391, %dma_start3A_392, %dma_start3A_393] : memref<2x1664x32xf32, #tpu.memory_space<vmem>> -> memref<1x1664x32xf32, #tpu.memory_space<vmem>>
      %dma_start3A_395 = tpu.memref_squeeze %dma_start3A_394 : memref<1x1664x32xf32, #tpu.memory_space<vmem>> -> memref<1664x32xf32, #tpu.memory_space<vmem>>
      %dma_start3A_396 = arith.constant 1152 : i32
      %dma_start3A_397 = arith.constant 0 : i32
      %dma_start3A_398 = tpu.memref_slice %dma_start3A_395[%dma_start3A_396, %dma_start3A_397] : memref<1664x32xf32, #tpu.memory_space<vmem>> -> memref<128x32xf32, #tpu.memory_space<vmem>>
      %dma_start3A_399 = arith.constant 0 : i32
      %dma_start3A_400 = tpu.memref_slice %arg5[%add3A_390, %dma_start3A_399] : memref<104x128xi32, #tpu.memory_space<vmem>> -> memref<1x128xi32, #tpu.memory_space<vmem>>
      %dma_start3A_401 = tpu.memref_squeeze %dma_start3A_400 : memref<1x128xi32, #tpu.memory_space<vmem>> -> memref<128xi32, #tpu.memory_space<vmem>>
      %dma_start3A_402 = arith.constant 0 : i32
      %dma_start3A_403 = arith.constant 0 : i32
      %dma_start3A_404 = tpu.memref_slice %arg3[%dma_start3A_402, %dma_start3A_403] : memref<1048576x32xf32, #tpu.memory_space<hbm>> -> memref<1048576x32xf32, #tpu.memory_space<hbm>>
      tpu.enqueue_indirect_dma source(%dma_start3A_404 : memref<1048576x32xf32, #tpu.memory_space<hbm>>) target(%dma_start3A_398 : memref<128x32xf32, #tpu.memory_space<vmem>>) offsets(%dma_start3A_401 : memref<128xi32, #tpu.memory_space<vmem>>) semaphore(%arg8 : memref<!tpu.dma_semaphore, #tpu.memory_space<semaphore_mem>>)
      %mul3A_405 = arith.constant 13 : i32
      %mul3A_406 = arith.muli %add3A_224, %mul3A_405 : i32
      %add3A_407 = arith.constant 10 : i32
      %add3A_408 = arith.addi %mul3A_406, %add3A_407 : i32
      %dma_start3A_409 = arith.constant 1 : i32
      %dma_start3A_410 = arith.constant 0 : i32
      %dma_start3A_411 = arith.constant 0 : i32
      %dma_start3A_412 = tpu.memref_slice %arg6[%dma_start3A_409, %dma_start3A_410, %dma_start3A_411] : memref<2x1664x32xf32, #tpu.memory_space<vmem>> -> memref<1x1664x32xf32, #tpu.memory_space<vmem>>
      %dma_start3A_413 = tpu.memref_squeeze %dma_start3A_412 : memref<1x1664x32xf32, #tpu.memory_space<vmem>> -> memref<1664x32xf32, #tpu.memory_space<vmem>>
      %dma_start3A_414 = arith.constant 1280 : i32
      %dma_start3A_415 = arith.constant 0 : i32
      %dma_start3A_416 = tpu.memref_slice %dma_start3A_413[%dma_start3A_414, %dma_start3A_415] : memref<1664x32xf32, #tpu.memory_space<vmem>> -> memref<128x32xf32, #tpu.memory_space<vmem>>
      %dma_start3A_417 = arith.constant 0 : i32
      %dma_start3A_418 = tpu.memref_slice %arg5[%add3A_408, %dma_start3A_417] : memref<104x128xi32, #tpu.memory_space<vmem>> -> memref<1x128xi32, #tpu.memory_space<vmem>>
      %dma_start3A_419 = tpu.memref_squeeze %dma_start3A_418 : memref<1x128xi32, #tpu.memory_space<vmem>> -> memref<128xi32, #tpu.memory_space<vmem>>
      %dma_start3A_420 = arith.constant 0 : i32
      %dma_start3A_421 = arith.constant 0 : i32
      %dma_start3A_422 = tpu.memref_slice %arg3[%dma_start3A_420, %dma_start3A_421] : memref<1048576x32xf32, #tpu.memory_space<hbm>> -> memref<1048576x32xf32, #tpu.memory_space<hbm>>
      tpu.enqueue_indirect_dma source(%dma_start3A_422 : memref<1048576x32xf32, #tpu.memory_space<hbm>>) target(%dma_start3A_416 : memref<128x32xf32, #tpu.memory_space<vmem>>) offsets(%dma_start3A_419 : memref<128xi32, #tpu.memory_space<vmem>>) semaphore(%arg8 : memref<!tpu.dma_semaphore, #tpu.memory_space<semaphore_mem>>)
      %mul3A_423 = arith.constant 13 : i32
      %mul3A_424 = arith.muli %add3A_224, %mul3A_423 : i32
      %add3A_425 = arith.constant 11 : i32
      %add3A_426 = arith.addi %mul3A_424, %add3A_425 : i32
      %dma_start3A_427 = arith.constant 1 : i32
      %dma_start3A_428 = arith.constant 0 : i32
      %dma_start3A_429 = arith.constant 0 : i32
      %dma_start3A_430 = tpu.memref_slice %arg6[%dma_start3A_427, %dma_start3A_428, %dma_start3A_429] : memref<2x1664x32xf32, #tpu.memory_space<vmem>> -> memref<1x1664x32xf32, #tpu.memory_space<vmem>>
      %dma_start3A_431 = tpu.memref_squeeze %dma_start3A_430 : memref<1x1664x32xf32, #tpu.memory_space<vmem>> -> memref<1664x32xf32, #tpu.memory_space<vmem>>
      %dma_start3A_432 = arith.constant 1408 : i32
      %dma_start3A_433 = arith.constant 0 : i32
      %dma_start3A_434 = tpu.memref_slice %dma_start3A_431[%dma_start3A_432, %dma_start3A_433] : memref<1664x32xf32, #tpu.memory_space<vmem>> -> memref<128x32xf32, #tpu.memory_space<vmem>>
      %dma_start3A_435 = arith.constant 0 : i32
      %dma_start3A_436 = tpu.memref_slice %arg5[%add3A_426, %dma_start3A_435] : memref<104x128xi32, #tpu.memory_space<vmem>> -> memref<1x128xi32, #tpu.memory_space<vmem>>
      %dma_start3A_437 = tpu.memref_squeeze %dma_start3A_436 : memref<1x128xi32, #tpu.memory_space<vmem>> -> memref<128xi32, #tpu.memory_space<vmem>>
      %dma_start3A_438 = arith.constant 0 : i32
      %dma_start3A_439 = arith.constant 0 : i32
      %dma_start3A_440 = tpu.memref_slice %arg3[%dma_start3A_438, %dma_start3A_439] : memref<1048576x32xf32, #tpu.memory_space<hbm>> -> memref<1048576x32xf32, #tpu.memory_space<hbm>>
      tpu.enqueue_indirect_dma source(%dma_start3A_440 : memref<1048576x32xf32, #tpu.memory_space<hbm>>) target(%dma_start3A_434 : memref<128x32xf32, #tpu.memory_space<vmem>>) offsets(%dma_start3A_437 : memref<128xi32, #tpu.memory_space<vmem>>) semaphore(%arg8 : memref<!tpu.dma_semaphore, #tpu.memory_space<semaphore_mem>>)
      %mul3A_441 = arith.constant 13 : i32
      %mul3A_442 = arith.muli %add3A_224, %mul3A_441 : i32
      %add3A_443 = arith.constant 12 : i32
      %add3A_444 = arith.addi %mul3A_442, %add3A_443 : i32
      %dma_start3A_445 = arith.constant 1 : i32
      %dma_start3A_446 = arith.constant 0 : i32
      %dma_start3A_447 = arith.constant 0 : i32
      %dma_start3A_448 = tpu.memref_slice %arg6[%dma_start3A_445, %dma_start3A_446, %dma_start3A_447] : memref<2x1664x32xf32, #tpu.memory_space<vmem>> -> memref<1x1664x32xf32, #tpu.memory_space<vmem>>
      %dma_start3A_449 = tpu.memref_squeeze %dma_start3A_448 : memref<1x1664x32xf32, #tpu.memory_space<vmem>> -> memref<1664x32xf32, #tpu.memory_space<vmem>>
      %dma_start3A_450 = arith.constant 1536 : i32
      %dma_start3A_451 = arith.constant 0 : i32
      %dma_start3A_452 = tpu.memref_slice %dma_start3A_449[%dma_start3A_450, %dma_start3A_451] : memref<1664x32xf32, #tpu.memory_space<vmem>> -> memref<128x32xf32, #tpu.memory_space<vmem>>
      %dma_start3A_453 = arith.constant 0 : i32
      %dma_start3A_454 = tpu.memref_slice %arg5[%add3A_444, %dma_start3A_453] : memref<104x128xi32, #tpu.memory_space<vmem>> -> memref<1x128xi32, #tpu.memory_space<vmem>>
      %dma_start3A_455 = tpu.memref_squeeze %dma_start3A_454 : memref<1x128xi32, #tpu.memory_space<vmem>> -> memref<128xi32, #tpu.memory_space<vmem>>
      %dma_start3A_456 = arith.constant 0 : i32
      %dma_start3A_457 = arith.constant 0 : i32
      %dma_start3A_458 = tpu.memref_slice %arg3[%dma_start3A_456, %dma_start3A_457] : memref<1048576x32xf32, #tpu.memory_space<hbm>> -> memref<1048576x32xf32, #tpu.memory_space<hbm>>
      tpu.enqueue_indirect_dma source(%dma_start3A_458 : memref<1048576x32xf32, #tpu.memory_space<hbm>>) target(%dma_start3A_452 : memref<128x32xf32, #tpu.memory_space<vmem>>) offsets(%dma_start3A_455 : memref<128xi32, #tpu.memory_space<vmem>>) semaphore(%arg8 : memref<!tpu.dma_semaphore, #tpu.memory_space<semaphore_mem>>)
      %dma_wait3A_459 = arith.constant 0 : i32
      %dma_wait3A_460 = arith.constant 0 : i32
      %dma_wait3A_461 = arith.constant 0 : i32
      %dma_wait3A_462 = arith.constant 0 : i32
      %dma_wait3A_463 = tpu.memref_slice %arg6[%dma_wait3A_460, %dma_wait3A_461, %dma_wait3A_462] : memref<2x1664x32xf32, #tpu.memory_space<vmem>> -> memref<1x1664x32xf32, #tpu.memory_space<vmem>>
      %dma_wait3A_464 = tpu.memref_squeeze %dma_wait3A_463 : memref<1x1664x32xf32, #tpu.memory_space<vmem>> -> memref<1664x32xf32, #tpu.memory_space<vmem>>
      %dma_wait3A_465 = arith.constant 0 : i32
      %dma_wait3A_466 = arith.constant 0 : i32
      %dma_wait3A_467 = tpu.memref_slice %dma_wait3A_464[%dma_wait3A_465, %dma_wait3A_466] : memref<1664x32xf32, #tpu.memory_space<vmem>> -> memref<128x32xf32, #tpu.memory_space<vmem>>
      %dma_wait3A_468 = arith.constant 0 : i32
      %dma_wait3A_469 = tpu.memref_slice %arg5[%dma_wait3A_459, %dma_wait3A_468] : memref<104x128xi32, #tpu.memory_space<vmem>> -> memref<1x128xi32, #tpu.memory_space<vmem>>
      %dma_wait3A_470 = tpu.memref_squeeze %dma_wait3A_469 : memref<1x128xi32, #tpu.memory_space<vmem>> -> memref<128xi32, #tpu.memory_space<vmem>>
      %dma_wait3A_471 = arith.constant 0 : i32
      %dma_wait3A_472 = arith.constant 0 : i32
      %dma_wait3A_473 = tpu.memref_slice %arg3[%dma_wait3A_471, %dma_wait3A_472] : memref<1048576x32xf32, #tpu.memory_space<hbm>> -> memref<1048576x32xf32, #tpu.memory_space<hbm>>
      tpu.wait_indirect_dma semaphore(%arg7 : memref<!tpu.dma_semaphore, #tpu.memory_space<semaphore_mem>>) src(%dma_wait3A_473 : memref<1048576x32xf32, #tpu.memory_space<hbm>>) dst(%dma_wait3A_467 : memref<128x32xf32, #tpu.memory_space<vmem>>)
      %dma_wait3A_474 = arith.constant 0 : i32
      %dma_wait3A_475 = arith.constant 0 : i32
      %dma_wait3A_476 = arith.constant 0 : i32
      %dma_wait3A_477 = arith.constant 0 : i32
      %dma_wait3A_478 = tpu.memref_slice %arg6[%dma_wait3A_475, %dma_wait3A_476, %dma_wait3A_477] : memref<2x1664x32xf32, #tpu.memory_space<vmem>> -> memref<1x1664x32xf32, #tpu.memory_space<vmem>>
      %dma_wait3A_479 = tpu.memref_squeeze %dma_wait3A_478 : memref<1x1664x32xf32, #tpu.memory_space<vmem>> -> memref<1664x32xf32, #tpu.memory_space<vmem>>
      %dma_wait3A_480 = arith.constant 128 : i32
      %dma_wait3A_481 = arith.constant 0 : i32
      %dma_wait3A_482 = tpu.memref_slice %dma_wait3A_479[%dma_wait3A_480, %dma_wait3A_481] : memref<1664x32xf32, #tpu.memory_space<vmem>> -> memref<128x32xf32, #tpu.memory_space<vmem>>
      %dma_wait3A_483 = arith.constant 0 : i32
      %dma_wait3A_484 = tpu.memref_slice %arg5[%dma_wait3A_474, %dma_wait3A_483] : memref<104x128xi32, #tpu.memory_space<vmem>> -> memref<1x128xi32, #tpu.memory_space<vmem>>
      %dma_wait3A_485 = tpu.memref_squeeze %dma_wait3A_484 : memref<1x128xi32, #tpu.memory_space<vmem>> -> memref<128xi32, #tpu.memory_space<vmem>>
      %dma_wait3A_486 = arith.constant 0 : i32
      %dma_wait3A_487 = arith.constant 0 : i32
      %dma_wait3A_488 = tpu.memref_slice %arg3[%dma_wait3A_486, %dma_wait3A_487] : memref<1048576x32xf32, #tpu.memory_space<hbm>> -> memref<1048576x32xf32, #tpu.memory_space<hbm>>
      tpu.wait_indirect_dma semaphore(%arg7 : memref<!tpu.dma_semaphore, #tpu.memory_space<semaphore_mem>>) src(%dma_wait3A_488 : memref<1048576x32xf32, #tpu.memory_space<hbm>>) dst(%dma_wait3A_482 : memref<128x32xf32, #tpu.memory_space<vmem>>)
      %dma_wait3A_489 = arith.constant 0 : i32
      %dma_wait3A_490 = arith.constant 0 : i32
      %dma_wait3A_491 = arith.constant 0 : i32
      %dma_wait3A_492 = arith.constant 0 : i32
      %dma_wait3A_493 = tpu.memref_slice %arg6[%dma_wait3A_490, %dma_wait3A_491, %dma_wait3A_492] : memref<2x1664x32xf32, #tpu.memory_space<vmem>> -> memref<1x1664x32xf32, #tpu.memory_space<vmem>>
      %dma_wait3A_494 = tpu.memref_squeeze %dma_wait3A_493 : memref<1x1664x32xf32, #tpu.memory_space<vmem>> -> memref<1664x32xf32, #tpu.memory_space<vmem>>
      %dma_wait3A_495 = arith.constant 256 : i32
      %dma_wait3A_496 = arith.constant 0 : i32
      %dma_wait3A_497 = tpu.memref_slice %dma_wait3A_494[%dma_wait3A_495, %dma_wait3A_496] : memref<1664x32xf32, #tpu.memory_space<vmem>> -> memref<128x32xf32, #tpu.memory_space<vmem>>
      %dma_wait3A_498 = arith.constant 0 : i32
      %dma_wait3A_499 = tpu.memref_slice %arg5[%dma_wait3A_489, %dma_wait3A_498] : memref<104x128xi32, #tpu.memory_space<vmem>> -> memref<1x128xi32, #tpu.memory_space<vmem>>
      %dma_wait3A_500 = tpu.memref_squeeze %dma_wait3A_499 : memref<1x128xi32, #tpu.memory_space<vmem>> -> memref<128xi32, #tpu.memory_space<vmem>>
      %dma_wait3A_501 = arith.constant 0 : i32
      %dma_wait3A_502 = arith.constant 0 : i32
      %dma_wait3A_503 = tpu.memref_slice %arg3[%dma_wait3A_501, %dma_wait3A_502] : memref<1048576x32xf32, #tpu.memory_space<hbm>> -> memref<1048576x32xf32, #tpu.memory_space<hbm>>
      tpu.wait_indirect_dma semaphore(%arg7 : memref<!tpu.dma_semaphore, #tpu.memory_space<semaphore_mem>>) src(%dma_wait3A_503 : memref<1048576x32xf32, #tpu.memory_space<hbm>>) dst(%dma_wait3A_497 : memref<128x32xf32, #tpu.memory_space<vmem>>)
      %dma_wait3A_504 = arith.constant 0 : i32
      %dma_wait3A_505 = arith.constant 0 : i32
      %dma_wait3A_506 = arith.constant 0 : i32
      %dma_wait3A_507 = arith.constant 0 : i32
      %dma_wait3A_508 = tpu.memref_slice %arg6[%dma_wait3A_505, %dma_wait3A_506, %dma_wait3A_507] : memref<2x1664x32xf32, #tpu.memory_space<vmem>> -> memref<1x1664x32xf32, #tpu.memory_space<vmem>>
      %dma_wait3A_509 = tpu.memref_squeeze %dma_wait3A_508 : memref<1x1664x32xf32, #tpu.memory_space<vmem>> -> memref<1664x32xf32, #tpu.memory_space<vmem>>
      %dma_wait3A_510 = arith.constant 384 : i32
      %dma_wait3A_511 = arith.constant 0 : i32
      %dma_wait3A_512 = tpu.memref_slice %dma_wait3A_509[%dma_wait3A_510, %dma_wait3A_511] : memref<1664x32xf32, #tpu.memory_space<vmem>> -> memref<128x32xf32, #tpu.memory_space<vmem>>
      %dma_wait3A_513 = arith.constant 0 : i32
      %dma_wait3A_514 = tpu.memref_slice %arg5[%dma_wait3A_504, %dma_wait3A_513] : memref<104x128xi32, #tpu.memory_space<vmem>> -> memref<1x128xi32, #tpu.memory_space<vmem>>
      %dma_wait3A_515 = tpu.memref_squeeze %dma_wait3A_514 : memref<1x128xi32, #tpu.memory_space<vmem>> -> memref<128xi32, #tpu.memory_space<vmem>>
      %dma_wait3A_516 = arith.constant 0 : i32
      %dma_wait3A_517 = arith.constant 0 : i32
      %dma_wait3A_518 = tpu.memref_slice %arg3[%dma_wait3A_516, %dma_wait3A_517] : memref<1048576x32xf32, #tpu.memory_space<hbm>> -> memref<1048576x32xf32, #tpu.memory_space<hbm>>
      tpu.wait_indirect_dma semaphore(%arg7 : memref<!tpu.dma_semaphore, #tpu.memory_space<semaphore_mem>>) src(%dma_wait3A_518 : memref<1048576x32xf32, #tpu.memory_space<hbm>>) dst(%dma_wait3A_512 : memref<128x32xf32, #tpu.memory_space<vmem>>)
      %dma_wait3A_519 = arith.constant 0 : i32
      %dma_wait3A_520 = arith.constant 0 : i32
      %dma_wait3A_521 = arith.constant 0 : i32
      %dma_wait3A_522 = arith.constant 0 : i32
      %dma_wait3A_523 = tpu.memref_slice %arg6[%dma_wait3A_520, %dma_wait3A_521, %dma_wait3A_522] : memref<2x1664x32xf32, #tpu.memory_space<vmem>> -> memref<1x1664x32xf32, #tpu.memory_space<vmem>>
      %dma_wait3A_524 = tpu.memref_squeeze %dma_wait3A_523 : memref<1x1664x32xf32, #tpu.memory_space<vmem>> -> memref<1664x32xf32, #tpu.memory_space<vmem>>
      %dma_wait3A_525 = arith.constant 512 : i32
      %dma_wait3A_526 = arith.constant 0 : i32
      %dma_wait3A_527 = tpu.memref_slice %dma_wait3A_524[%dma_wait3A_525, %dma_wait3A_526] : memref<1664x32xf32, #tpu.memory_space<vmem>> -> memref<128x32xf32, #tpu.memory_space<vmem>>
      %dma_wait3A_528 = arith.constant 0 : i32
      %dma_wait3A_529 = tpu.memref_slice %arg5[%dma_wait3A_519, %dma_wait3A_528] : memref<104x128xi32, #tpu.memory_space<vmem>> -> memref<1x128xi32, #tpu.memory_space<vmem>>
      %dma_wait3A_530 = tpu.memref_squeeze %dma_wait3A_529 : memref<1x128xi32, #tpu.memory_space<vmem>> -> memref<128xi32, #tpu.memory_space<vmem>>
      %dma_wait3A_531 = arith.constant 0 : i32
      %dma_wait3A_532 = arith.constant 0 : i32
      %dma_wait3A_533 = tpu.memref_slice %arg3[%dma_wait3A_531, %dma_wait3A_532] : memref<1048576x32xf32, #tpu.memory_space<hbm>> -> memref<1048576x32xf32, #tpu.memory_space<hbm>>
      tpu.wait_indirect_dma semaphore(%arg7 : memref<!tpu.dma_semaphore, #tpu.memory_space<semaphore_mem>>) src(%dma_wait3A_533 : memref<1048576x32xf32, #tpu.memory_space<hbm>>) dst(%dma_wait3A_527 : memref<128x32xf32, #tpu.memory_space<vmem>>)
      %dma_wait3A_534 = arith.constant 0 : i32
      %dma_wait3A_535 = arith.constant 0 : i32
      %dma_wait3A_536 = arith.constant 0 : i32
      %dma_wait3A_537 = arith.constant 0 : i32
      %dma_wait3A_538 = tpu.memref_slice %arg6[%dma_wait3A_535, %dma_wait3A_536, %dma_wait3A_537] : memref<2x1664x32xf32, #tpu.memory_space<vmem>> -> memref<1x1664x32xf32, #tpu.memory_space<vmem>>
      %dma_wait3A_539 = tpu.memref_squeeze %dma_wait3A_538 : memref<1x1664x32xf32, #tpu.memory_space<vmem>> -> memref<1664x32xf32, #tpu.memory_space<vmem>>
      %dma_wait3A_540 = arith.constant 640 : i32
      %dma_wait3A_541 = arith.constant 0 : i32
      %dma_wait3A_542 = tpu.memref_slice %dma_wait3A_539[%dma_wait3A_540, %dma_wait3A_541] : memref<1664x32xf32, #tpu.memory_space<vmem>> -> memref<128x32xf32, #tpu.memory_space<vmem>>
      %dma_wait3A_543 = arith.constant 0 : i32
      %dma_wait3A_544 = tpu.memref_slice %arg5[%dma_wait3A_534, %dma_wait3A_543] : memref<104x128xi32, #tpu.memory_space<vmem>> -> memref<1x128xi32, #tpu.memory_space<vmem>>
      %dma_wait3A_545 = tpu.memref_squeeze %dma_wait3A_544 : memref<1x128xi32, #tpu.memory_space<vmem>> -> memref<128xi32, #tpu.memory_space<vmem>>
      %dma_wait3A_546 = arith.constant 0 : i32
      %dma_wait3A_547 = arith.constant 0 : i32
      %dma_wait3A_548 = tpu.memref_slice %arg3[%dma_wait3A_546, %dma_wait3A_547] : memref<1048576x32xf32, #tpu.memory_space<hbm>> -> memref<1048576x32xf32, #tpu.memory_space<hbm>>
      tpu.wait_indirect_dma semaphore(%arg7 : memref<!tpu.dma_semaphore, #tpu.memory_space<semaphore_mem>>) src(%dma_wait3A_548 : memref<1048576x32xf32, #tpu.memory_space<hbm>>) dst(%dma_wait3A_542 : memref<128x32xf32, #tpu.memory_space<vmem>>)
      %dma_wait3A_549 = arith.constant 0 : i32
      %dma_wait3A_550 = arith.constant 0 : i32
      %dma_wait3A_551 = arith.constant 0 : i32
      %dma_wait3A_552 = arith.constant 0 : i32
      %dma_wait3A_553 = tpu.memref_slice %arg6[%dma_wait3A_550, %dma_wait3A_551, %dma_wait3A_552] : memref<2x1664x32xf32, #tpu.memory_space<vmem>> -> memref<1x1664x32xf32, #tpu.memory_space<vmem>>
      %dma_wait3A_554 = tpu.memref_squeeze %dma_wait3A_553 : memref<1x1664x32xf32, #tpu.memory_space<vmem>> -> memref<1664x32xf32, #tpu.memory_space<vmem>>
      %dma_wait3A_555 = arith.constant 768 : i32
      %dma_wait3A_556 = arith.constant 0 : i32
      %dma_wait3A_557 = tpu.memref_slice %dma_wait3A_554[%dma_wait3A_555, %dma_wait3A_556] : memref<1664x32xf32, #tpu.memory_space<vmem>> -> memref<128x32xf32, #tpu.memory_space<vmem>>
      %dma_wait3A_558 = arith.constant 0 : i32
      %dma_wait3A_559 = tpu.memref_slice %arg5[%dma_wait3A_549, %dma_wait3A_558] : memref<104x128xi32, #tpu.memory_space<vmem>> -> memref<1x128xi32, #tpu.memory_space<vmem>>
      %dma_wait3A_560 = tpu.memref_squeeze %dma_wait3A_559 : memref<1x128xi32, #tpu.memory_space<vmem>> -> memref<128xi32, #tpu.memory_space<vmem>>
      %dma_wait3A_561 = arith.constant 0 : i32
      %dma_wait3A_562 = arith.constant 0 : i32
      %dma_wait3A_563 = tpu.memref_slice %arg3[%dma_wait3A_561, %dma_wait3A_562] : memref<1048576x32xf32, #tpu.memory_space<hbm>> -> memref<1048576x32xf32, #tpu.memory_space<hbm>>
      tpu.wait_indirect_dma semaphore(%arg7 : memref<!tpu.dma_semaphore, #tpu.memory_space<semaphore_mem>>) src(%dma_wait3A_563 : memref<1048576x32xf32, #tpu.memory_space<hbm>>) dst(%dma_wait3A_557 : memref<128x32xf32, #tpu.memory_space<vmem>>)
      %dma_wait3A_564 = arith.constant 0 : i32
      %dma_wait3A_565 = arith.constant 0 : i32
      %dma_wait3A_566 = arith.constant 0 : i32
      %dma_wait3A_567 = arith.constant 0 : i32
      %dma_wait3A_568 = tpu.memref_slice %arg6[%dma_wait3A_565, %dma_wait3A_566, %dma_wait3A_567] : memref<2x1664x32xf32, #tpu.memory_space<vmem>> -> memref<1x1664x32xf32, #tpu.memory_space<vmem>>
      %dma_wait3A_569 = tpu.memref_squeeze %dma_wait3A_568 : memref<1x1664x32xf32, #tpu.memory_space<vmem>> -> memref<1664x32xf32, #tpu.memory_space<vmem>>
      %dma_wait3A_570 = arith.constant 896 : i32
      %dma_wait3A_571 = arith.constant 0 : i32
      %dma_wait3A_572 = tpu.memref_slice %dma_wait3A_569[%dma_wait3A_570, %dma_wait3A_571] : memref<1664x32xf32, #tpu.memory_space<vmem>> -> memref<128x32xf32, #tpu.memory_space<vmem>>
      %dma_wait3A_573 = arith.constant 0 : i32
      %dma_wait3A_574 = tpu.memref_slice %arg5[%dma_wait3A_564, %dma_wait3A_573] : memref<104x128xi32, #tpu.memory_space<vmem>> -> memref<1x128xi32, #tpu.memory_space<vmem>>
      %dma_wait3A_575 = tpu.memref_squeeze %dma_wait3A_574 : memref<1x128xi32, #tpu.memory_space<vmem>> -> memref<128xi32, #tpu.memory_space<vmem>>
      %dma_wait3A_576 = arith.constant 0 : i32
      %dma_wait3A_577 = arith.constant 0 : i32
      %dma_wait3A_578 = tpu.memref_slice %arg3[%dma_wait3A_576, %dma_wait3A_577] : memref<1048576x32xf32, #tpu.memory_space<hbm>> -> memref<1048576x32xf32, #tpu.memory_space<hbm>>
      tpu.wait_indirect_dma semaphore(%arg7 : memref<!tpu.dma_semaphore, #tpu.memory_space<semaphore_mem>>) src(%dma_wait3A_578 : memref<1048576x32xf32, #tpu.memory_space<hbm>>) dst(%dma_wait3A_572 : memref<128x32xf32, #tpu.memory_space<vmem>>)
      %dma_wait3A_579 = arith.constant 0 : i32
      %dma_wait3A_580 = arith.constant 0 : i32
      %dma_wait3A_581 = arith.constant 0 : i32
      %dma_wait3A_582 = arith.constant 0 : i32
      %dma_wait3A_583 = tpu.memref_slice %arg6[%dma_wait3A_580, %dma_wait3A_581, %dma_wait3A_582] : memref<2x1664x32xf32, #tpu.memory_space<vmem>> -> memref<1x1664x32xf32, #tpu.memory_space<vmem>>
      %dma_wait3A_584 = tpu.memref_squeeze %dma_wait3A_583 : memref<1x1664x32xf32, #tpu.memory_space<vmem>> -> memref<1664x32xf32, #tpu.memory_space<vmem>>
      %dma_wait3A_585 = arith.constant 1024 : i32
      %dma_wait3A_586 = arith.constant 0 : i32
      %dma_wait3A_587 = tpu.memref_slice %dma_wait3A_584[%dma_wait3A_585, %dma_wait3A_586] : memref<1664x32xf32, #tpu.memory_space<vmem>> -> memref<128x32xf32, #tpu.memory_space<vmem>>
      %dma_wait3A_588 = arith.constant 0 : i32
      %dma_wait3A_589 = tpu.memref_slice %arg5[%dma_wait3A_579, %dma_wait3A_588] : memref<104x128xi32, #tpu.memory_space<vmem>> -> memref<1x128xi32, #tpu.memory_space<vmem>>
      %dma_wait3A_590 = tpu.memref_squeeze %dma_wait3A_589 : memref<1x128xi32, #tpu.memory_space<vmem>> -> memref<128xi32, #tpu.memory_space<vmem>>
      %dma_wait3A_591 = arith.constant 0 : i32
      %dma_wait3A_592 = arith.constant 0 : i32
      %dma_wait3A_593 = tpu.memref_slice %arg3[%dma_wait3A_591, %dma_wait3A_592] : memref<1048576x32xf32, #tpu.memory_space<hbm>> -> memref<1048576x32xf32, #tpu.memory_space<hbm>>
      tpu.wait_indirect_dma semaphore(%arg7 : memref<!tpu.dma_semaphore, #tpu.memory_space<semaphore_mem>>) src(%dma_wait3A_593 : memref<1048576x32xf32, #tpu.memory_space<hbm>>) dst(%dma_wait3A_587 : memref<128x32xf32, #tpu.memory_space<vmem>>)
      %dma_wait3A_594 = arith.constant 0 : i32
      %dma_wait3A_595 = arith.constant 0 : i32
      %dma_wait3A_596 = arith.constant 0 : i32
      %dma_wait3A_597 = arith.constant 0 : i32
      %dma_wait3A_598 = tpu.memref_slice %arg6[%dma_wait3A_595, %dma_wait3A_596, %dma_wait3A_597] : memref<2x1664x32xf32, #tpu.memory_space<vmem>> -> memref<1x1664x32xf32, #tpu.memory_space<vmem>>
      %dma_wait3A_599 = tpu.memref_squeeze %dma_wait3A_598 : memref<1x1664x32xf32, #tpu.memory_space<vmem>> -> memref<1664x32xf32, #tpu.memory_space<vmem>>
      %dma_wait3A_600 = arith.constant 1152 : i32
      %dma_wait3A_601 = arith.constant 0 : i32
      %dma_wait3A_602 = tpu.memref_slice %dma_wait3A_599[%dma_wait3A_600, %dma_wait3A_601] : memref<1664x32xf32, #tpu.memory_space<vmem>> -> memref<128x32xf32, #tpu.memory_space<vmem>>
      %dma_wait3A_603 = arith.constant 0 : i32
      %dma_wait3A_604 = tpu.memref_slice %arg5[%dma_wait3A_594, %dma_wait3A_603] : memref<104x128xi32, #tpu.memory_space<vmem>> -> memref<1x128xi32, #tpu.memory_space<vmem>>
      %dma_wait3A_605 = tpu.memref_squeeze %dma_wait3A_604 : memref<1x128xi32, #tpu.memory_space<vmem>> -> memref<128xi32, #tpu.memory_space<vmem>>
      %dma_wait3A_606 = arith.constant 0 : i32
      %dma_wait3A_607 = arith.constant 0 : i32
      %dma_wait3A_608 = tpu.memref_slice %arg3[%dma_wait3A_606, %dma_wait3A_607] : memref<1048576x32xf32, #tpu.memory_space<hbm>> -> memref<1048576x32xf32, #tpu.memory_space<hbm>>
      tpu.wait_indirect_dma semaphore(%arg7 : memref<!tpu.dma_semaphore, #tpu.memory_space<semaphore_mem>>) src(%dma_wait3A_608 : memref<1048576x32xf32, #tpu.memory_space<hbm>>) dst(%dma_wait3A_602 : memref<128x32xf32, #tpu.memory_space<vmem>>)
      %dma_wait3A_609 = arith.constant 0 : i32
      %dma_wait3A_610 = arith.constant 0 : i32
      %dma_wait3A_611 = arith.constant 0 : i32
      %dma_wait3A_612 = arith.constant 0 : i32
      %dma_wait3A_613 = tpu.memref_slice %arg6[%dma_wait3A_610, %dma_wait3A_611, %dma_wait3A_612] : memref<2x1664x32xf32, #tpu.memory_space<vmem>> -> memref<1x1664x32xf32, #tpu.memory_space<vmem>>
      %dma_wait3A_614 = tpu.memref_squeeze %dma_wait3A_613 : memref<1x1664x32xf32, #tpu.memory_space<vmem>> -> memref<1664x32xf32, #tpu.memory_space<vmem>>
      %dma_wait3A_615 = arith.constant 1280 : i32
      %dma_wait3A_616 = arith.constant 0 : i32
      %dma_wait3A_617 = tpu.memref_slice %dma_wait3A_614[%dma_wait3A_615, %dma_wait3A_616] : memref<1664x32xf32, #tpu.memory_space<vmem>> -> memref<128x32xf32, #tpu.memory_space<vmem>>
      %dma_wait3A_618 = arith.constant 0 : i32
      %dma_wait3A_619 = tpu.memref_slice %arg5[%dma_wait3A_609, %dma_wait3A_618] : memref<104x128xi32, #tpu.memory_space<vmem>> -> memref<1x128xi32, #tpu.memory_space<vmem>>
      %dma_wait3A_620 = tpu.memref_squeeze %dma_wait3A_619 : memref<1x128xi32, #tpu.memory_space<vmem>> -> memref<128xi32, #tpu.memory_space<vmem>>
      %dma_wait3A_621 = arith.constant 0 : i32
      %dma_wait3A_622 = arith.constant 0 : i32
      %dma_wait3A_623 = tpu.memref_slice %arg3[%dma_wait3A_621, %dma_wait3A_622] : memref<1048576x32xf32, #tpu.memory_space<hbm>> -> memref<1048576x32xf32, #tpu.memory_space<hbm>>
      tpu.wait_indirect_dma semaphore(%arg7 : memref<!tpu.dma_semaphore, #tpu.memory_space<semaphore_mem>>) src(%dma_wait3A_623 : memref<1048576x32xf32, #tpu.memory_space<hbm>>) dst(%dma_wait3A_617 : memref<128x32xf32, #tpu.memory_space<vmem>>)
      %dma_wait3A_624 = arith.constant 0 : i32
      %dma_wait3A_625 = arith.constant 0 : i32
      %dma_wait3A_626 = arith.constant 0 : i32
      %dma_wait3A_627 = arith.constant 0 : i32
      %dma_wait3A_628 = tpu.memref_slice %arg6[%dma_wait3A_625, %dma_wait3A_626, %dma_wait3A_627] : memref<2x1664x32xf32, #tpu.memory_space<vmem>> -> memref<1x1664x32xf32, #tpu.memory_space<vmem>>
      %dma_wait3A_629 = tpu.memref_squeeze %dma_wait3A_628 : memref<1x1664x32xf32, #tpu.memory_space<vmem>> -> memref<1664x32xf32, #tpu.memory_space<vmem>>
      %dma_wait3A_630 = arith.constant 1408 : i32
      %dma_wait3A_631 = arith.constant 0 : i32
      %dma_wait3A_632 = tpu.memref_slice %dma_wait3A_629[%dma_wait3A_630, %dma_wait3A_631] : memref<1664x32xf32, #tpu.memory_space<vmem>> -> memref<128x32xf32, #tpu.memory_space<vmem>>
      %dma_wait3A_633 = arith.constant 0 : i32
      %dma_wait3A_634 = tpu.memref_slice %arg5[%dma_wait3A_624, %dma_wait3A_633] : memref<104x128xi32, #tpu.memory_space<vmem>> -> memref<1x128xi32, #tpu.memory_space<vmem>>
      %dma_wait3A_635 = tpu.memref_squeeze %dma_wait3A_634 : memref<1x128xi32, #tpu.memory_space<vmem>> -> memref<128xi32, #tpu.memory_space<vmem>>
      %dma_wait3A_636 = arith.constant 0 : i32
      %dma_wait3A_637 = arith.constant 0 : i32
      %dma_wait3A_638 = tpu.memref_slice %arg3[%dma_wait3A_636, %dma_wait3A_637] : memref<1048576x32xf32, #tpu.memory_space<hbm>> -> memref<1048576x32xf32, #tpu.memory_space<hbm>>
      tpu.wait_indirect_dma semaphore(%arg7 : memref<!tpu.dma_semaphore, #tpu.memory_space<semaphore_mem>>) src(%dma_wait3A_638 : memref<1048576x32xf32, #tpu.memory_space<hbm>>) dst(%dma_wait3A_632 : memref<128x32xf32, #tpu.memory_space<vmem>>)
      %dma_wait3A_639 = arith.constant 0 : i32
      %dma_wait3A_640 = arith.constant 0 : i32
      %dma_wait3A_641 = arith.constant 0 : i32
      %dma_wait3A_642 = arith.constant 0 : i32
      %dma_wait3A_643 = tpu.memref_slice %arg6[%dma_wait3A_640, %dma_wait3A_641, %dma_wait3A_642] : memref<2x1664x32xf32, #tpu.memory_space<vmem>> -> memref<1x1664x32xf32, #tpu.memory_space<vmem>>
      %dma_wait3A_644 = tpu.memref_squeeze %dma_wait3A_643 : memref<1x1664x32xf32, #tpu.memory_space<vmem>> -> memref<1664x32xf32, #tpu.memory_space<vmem>>
      %dma_wait3A_645 = arith.constant 1536 : i32
      %dma_wait3A_646 = arith.constant 0 : i32
      %dma_wait3A_647 = tpu.memref_slice %dma_wait3A_644[%dma_wait3A_645, %dma_wait3A_646] : memref<1664x32xf32, #tpu.memory_space<vmem>> -> memref<128x32xf32, #tpu.memory_space<vmem>>
      %dma_wait3A_648 = arith.constant 0 : i32
      %dma_wait3A_649 = tpu.memref_slice %arg5[%dma_wait3A_639, %dma_wait3A_648] : memref<104x128xi32, #tpu.memory_space<vmem>> -> memref<1x128xi32, #tpu.memory_space<vmem>>
      %dma_wait3A_650 = tpu.memref_squeeze %dma_wait3A_649 : memref<1x128xi32, #tpu.memory_space<vmem>> -> memref<128xi32, #tpu.memory_space<vmem>>
      %dma_wait3A_651 = arith.constant 0 : i32
      %dma_wait3A_652 = arith.constant 0 : i32
      %dma_wait3A_653 = tpu.memref_slice %arg3[%dma_wait3A_651, %dma_wait3A_652] : memref<1048576x32xf32, #tpu.memory_space<hbm>> -> memref<1048576x32xf32, #tpu.memory_space<hbm>>
      tpu.wait_indirect_dma semaphore(%arg7 : memref<!tpu.dma_semaphore, #tpu.memory_space<semaphore_mem>>) src(%dma_wait3A_653 : memref<1048576x32xf32, #tpu.memory_space<hbm>>) dst(%dma_wait3A_647 : memref<128x32xf32, #tpu.memory_space<vmem>>)
      %mul3A_654 = arith.constant 1664 : i32
      %mul3A_655 = arith.muli %add3A_220, %mul3A_654 : i32
      %add3A_656 = arith.addi %mul3A_2, %mul3A_655 : i32
      %dma_start3A_657 = arith.constant 0 : i32
      %dma_start3A_658 = arith.constant 0 : i32
      %dma_start3A_659 = arith.constant 0 : i32
      %dma_start3A_660 = tpu.memref_slice %arg6[%dma_start3A_657, %dma_start3A_658, %dma_start3A_659] : memref<2x1664x32xf32, #tpu.memory_space<vmem>> -> memref<1x1664x32xf32, #tpu.memory_space<vmem>>
      %dma_start3A_661 = tpu.memref_squeeze %dma_start3A_660 : memref<1x1664x32xf32, #tpu.memory_space<vmem>> -> memref<1664x32xf32, #tpu.memory_space<vmem>>
      %dma_start3A_662 = arith.constant 0 : i32
      %dma_start3A_663 = tpu.memref_slice %arg4[%add3A_656, %dma_start3A_662] : memref<425984x32xf32, #tpu.memory_space<hbm>> -> memref<1664x32xf32, #tpu.memory_space<hbm>>
      %dma_start3A_664 = arith.constant 0 : i32
      %dma_start3A_665 = tpu.memref_slice %arg4[%add3A_656, %dma_start3A_664] : memref<425984x32xf32, #tpu.memory_space<hbm>> -> memref<1664x32xf32, #tpu.memory_space<hbm>>
      %dma_start3A_666 = arith.constant 0 : i32
      %dma_start3A_667 = arith.constant 0 : i32
      %dma_start3A_668 = tpu.memref_slice %arg6[%dma_start3A_657, %dma_start3A_666, %dma_start3A_667] : memref<2x1664x32xf32, #tpu.memory_space<vmem>> -> memref<1x1664x32xf32, #tpu.memory_space<vmem>>
      %dma_start3A_669 = tpu.memref_squeeze %dma_start3A_668 : memref<1x1664x32xf32, #tpu.memory_space<vmem>> -> memref<1664x32xf32, #tpu.memory_space<vmem>>
      tpu.enqueue_dma source(%dma_start3A_669 : memref<1664x32xf32, #tpu.memory_space<vmem>>) target(%dma_start3A_665 : memref<1664x32xf32, #tpu.memory_space<hbm>>) target_semaphore(%arg9 : memref<!tpu.dma_semaphore, #tpu.memory_space<semaphore_mem>>)
      %mul3A_670 = arith.constant 2 : i32
      %mul3A_671 = arith.muli %mul3A_670, %scan3A_216 : i32
      %add3A_672 = arith.constant 1 : i32
      %add3A_673 = arith.addi %mul3A_671, %add3A_672 : i32
      %dma_wait3A_674 = arith.constant 0 : i32
      %dma_wait3A_675 = arith.constant 0 : i32
      %dma_wait3A_676 = arith.constant 0 : i32
      %dma_wait3A_677 = tpu.memref_slice %arg6[%dma_wait3A_674, %dma_wait3A_675, %dma_wait3A_676] : memref<2x1664x32xf32, #tpu.memory_space<vmem>> -> memref<1x1664x32xf32, #tpu.memory_space<vmem>>
      %dma_wait3A_678 = tpu.memref_squeeze %dma_wait3A_677 : memref<1x1664x32xf32, #tpu.memory_space<vmem>> -> memref<1664x32xf32, #tpu.memory_space<vmem>>
      %dma_wait3A_679 = arith.constant 0 : i32
      %dma_wait3A_680 = tpu.memref_slice %arg4[%mul3A_2, %dma_wait3A_679] : memref<425984x32xf32, #tpu.memory_space<hbm>> -> memref<1664x32xf32, #tpu.memory_space<hbm>>
      %dma_wait3A_681 = arith.constant 0 : i32
      %dma_wait3A_682 = tpu.memref_slice %arg4[%mul3A_2, %dma_wait3A_681] : memref<425984x32xf32, #tpu.memory_space<hbm>> -> memref<1664x32xf32, #tpu.memory_space<hbm>>
      %dma_wait3A_683 = arith.constant 0 : i32
      %dma_wait3A_684 = arith.constant 0 : i32
      %dma_wait3A_685 = tpu.memref_slice %arg6[%dma_wait3A_674, %dma_wait3A_683, %dma_wait3A_684] : memref<2x1664x32xf32, #tpu.memory_space<vmem>> -> memref<1x1664x32xf32, #tpu.memory_space<vmem>>
      %dma_wait3A_686 = tpu.memref_squeeze %dma_wait3A_685 : memref<1x1664x32xf32, #tpu.memory_space<vmem>> -> memref<1664x32xf32, #tpu.memory_space<vmem>>
      tpu.wait_dma2 semaphore(%arg9 : memref<!tpu.dma_semaphore, #tpu.memory_space<semaphore_mem>>) src(%dma_wait3A_686 : memref<1664x32xf32, #tpu.memory_space<vmem>>) dst(%dma_wait3A_682 : memref<1664x32xf32, #tpu.memory_space<hbm>>)
      %lt3A = arith.constant 3 : i32
      %lt3A_687 = arith.cmpi slt, %scan3A_216, %lt3A : i32
      %convert_element_type3A_688 = arith.extui %lt3A_687 : i1 to i32
      %cond3A_689 = arith.constant 0 : i32
      %cond3A_690 = arith.cmpi ne, %convert_element_type3A_688, %cond3A_689 : i32
      scf.if %cond3A_690 {
        %add3A_902 = arith.constant 1 : i32
        %add3A_903 = arith.addi %add3A_673, %add3A_902 : i32
        %mul3A_904 = arith.constant 13 : i32
        %mul3A_905 = arith.muli %add3A_903, %mul3A_904 : i32
        %add3A_906 = arith.constant 0 : i32
        %add3A_907 = arith.addi %mul3A_905, %add3A_906 : i32
        %dma_start3A_908 = arith.constant 0 : i32
        %dma_start3A_909 = arith.constant 0 : i32
        %dma_start3A_910 = arith.constant 0 : i32
        %dma_start3A_911 = tpu.memref_slice %arg6[%dma_start3A_908, %dma_start3A_909, %dma_start3A_910] : memref<2x1664x32xf32, #tpu.memory_space<vmem>> -> memref<1x1664x32xf32, #tpu.memory_space<vmem>>
        %dma_start3A_912 = tpu.memref_squeeze %dma_start3A_911 : memref<1x1664x32xf32, #tpu.memory_space<vmem>> -> memref<1664x32xf32, #tpu.memory_space<vmem>>
        %dma_start3A_913 = arith.constant 0 : i32
        %dma_start3A_914 = arith.constant 0 : i32
        %dma_start3A_915 = tpu.memref_slice %dma_start3A_912[%dma_start3A_913, %dma_start3A_914] : memref<1664x32xf32, #tpu.memory_space<vmem>> -> memref<128x32xf32, #tpu.memory_space<vmem>>
        %dma_start3A_916 = arith.constant 0 : i32
        %dma_start3A_917 = tpu.memref_slice %arg5[%add3A_907, %dma_start3A_916] : memref<104x128xi32, #tpu.memory_space<vmem>> -> memref<1x128xi32, #tpu.memory_space<vmem>>
        %dma_start3A_918 = tpu.memref_squeeze %dma_start3A_917 : memref<1x128xi32, #tpu.memory_space<vmem>> -> memref<128xi32, #tpu.memory_space<vmem>>
        %dma_start3A_919 = arith.constant 0 : i32
        %dma_start3A_920 = arith.constant 0 : i32
        %dma_start3A_921 = tpu.memref_slice %arg3[%dma_start3A_919, %dma_start3A_920] : memref<1048576x32xf32, #tpu.memory_space<hbm>> -> memref<1048576x32xf32, #tpu.memory_space<hbm>>
        tpu.enqueue_indirect_dma source(%dma_start3A_921 : memref<1048576x32xf32, #tpu.memory_space<hbm>>) target(%dma_start3A_915 : memref<128x32xf32, #tpu.memory_space<vmem>>) offsets(%dma_start3A_918 : memref<128xi32, #tpu.memory_space<vmem>>) semaphore(%arg7 : memref<!tpu.dma_semaphore, #tpu.memory_space<semaphore_mem>>)
        %mul3A_922 = arith.constant 13 : i32
        %mul3A_923 = arith.muli %add3A_903, %mul3A_922 : i32
        %add3A_924 = arith.constant 1 : i32
        %add3A_925 = arith.addi %mul3A_923, %add3A_924 : i32
        %dma_start3A_926 = arith.constant 0 : i32
        %dma_start3A_927 = arith.constant 0 : i32
        %dma_start3A_928 = arith.constant 0 : i32
        %dma_start3A_929 = tpu.memref_slice %arg6[%dma_start3A_926, %dma_start3A_927, %dma_start3A_928] : memref<2x1664x32xf32, #tpu.memory_space<vmem>> -> memref<1x1664x32xf32, #tpu.memory_space<vmem>>
        %dma_start3A_930 = tpu.memref_squeeze %dma_start3A_929 : memref<1x1664x32xf32, #tpu.memory_space<vmem>> -> memref<1664x32xf32, #tpu.memory_space<vmem>>
        %dma_start3A_931 = arith.constant 128 : i32
        %dma_start3A_932 = arith.constant 0 : i32
        %dma_start3A_933 = tpu.memref_slice %dma_start3A_930[%dma_start3A_931, %dma_start3A_932] : memref<1664x32xf32, #tpu.memory_space<vmem>> -> memref<128x32xf32, #tpu.memory_space<vmem>>
        %dma_start3A_934 = arith.constant 0 : i32
        %dma_start3A_935 = tpu.memref_slice %arg5[%add3A_925, %dma_start3A_934] : memref<104x128xi32, #tpu.memory_space<vmem>> -> memref<1x128xi32, #tpu.memory_space<vmem>>
        %dma_start3A_936 = tpu.memref_squeeze %dma_start3A_935 : memref<1x128xi32, #tpu.memory_space<vmem>> -> memref<128xi32, #tpu.memory_space<vmem>>
        %dma_start3A_937 = arith.constant 0 : i32
        %dma_start3A_938 = arith.constant 0 : i32
        %dma_start3A_939 = tpu.memref_slice %arg3[%dma_start3A_937, %dma_start3A_938] : memref<1048576x32xf32, #tpu.memory_space<hbm>> -> memref<1048576x32xf32, #tpu.memory_space<hbm>>
        tpu.enqueue_indirect_dma source(%dma_start3A_939 : memref<1048576x32xf32, #tpu.memory_space<hbm>>) target(%dma_start3A_933 : memref<128x32xf32, #tpu.memory_space<vmem>>) offsets(%dma_start3A_936 : memref<128xi32, #tpu.memory_space<vmem>>) semaphore(%arg7 : memref<!tpu.dma_semaphore, #tpu.memory_space<semaphore_mem>>)
        %mul3A_940 = arith.constant 13 : i32
        %mul3A_941 = arith.muli %add3A_903, %mul3A_940 : i32
        %add3A_942 = arith.constant 2 : i32
        %add3A_943 = arith.addi %mul3A_941, %add3A_942 : i32
        %dma_start3A_944 = arith.constant 0 : i32
        %dma_start3A_945 = arith.constant 0 : i32
        %dma_start3A_946 = arith.constant 0 : i32
        %dma_start3A_947 = tpu.memref_slice %arg6[%dma_start3A_944, %dma_start3A_945, %dma_start3A_946] : memref<2x1664x32xf32, #tpu.memory_space<vmem>> -> memref<1x1664x32xf32, #tpu.memory_space<vmem>>
        %dma_start3A_948 = tpu.memref_squeeze %dma_start3A_947 : memref<1x1664x32xf32, #tpu.memory_space<vmem>> -> memref<1664x32xf32, #tpu.memory_space<vmem>>
        %dma_start3A_949 = arith.constant 256 : i32
        %dma_start3A_950 = arith.constant 0 : i32
        %dma_start3A_951 = tpu.memref_slice %dma_start3A_948[%dma_start3A_949, %dma_start3A_950] : memref<1664x32xf32, #tpu.memory_space<vmem>> -> memref<128x32xf32, #tpu.memory_space<vmem>>
        %dma_start3A_952 = arith.constant 0 : i32
        %dma_start3A_953 = tpu.memref_slice %arg5[%add3A_943, %dma_start3A_952] : memref<104x128xi32, #tpu.memory_space<vmem>> -> memref<1x128xi32, #tpu.memory_space<vmem>>
        %dma_start3A_954 = tpu.memref_squeeze %dma_start3A_953 : memref<1x128xi32, #tpu.memory_space<vmem>> -> memref<128xi32, #tpu.memory_space<vmem>>
        %dma_start3A_955 = arith.constant 0 : i32
        %dma_start3A_956 = arith.constant 0 : i32
        %dma_start3A_957 = tpu.memref_slice %arg3[%dma_start3A_955, %dma_start3A_956] : memref<1048576x32xf32, #tpu.memory_space<hbm>> -> memref<1048576x32xf32, #tpu.memory_space<hbm>>
        tpu.enqueue_indirect_dma source(%dma_start3A_957 : memref<1048576x32xf32, #tpu.memory_space<hbm>>) target(%dma_start3A_951 : memref<128x32xf32, #tpu.memory_space<vmem>>) offsets(%dma_start3A_954 : memref<128xi32, #tpu.memory_space<vmem>>) semaphore(%arg7 : memref<!tpu.dma_semaphore, #tpu.memory_space<semaphore_mem>>)
        %mul3A_958 = arith.constant 13 : i32
        %mul3A_959 = arith.muli %add3A_903, %mul3A_958 : i32
        %add3A_960 = arith.constant 3 : i32
        %add3A_961 = arith.addi %mul3A_959, %add3A_960 : i32
        %dma_start3A_962 = arith.constant 0 : i32
        %dma_start3A_963 = arith.constant 0 : i32
        %dma_start3A_964 = arith.constant 0 : i32
        %dma_start3A_965 = tpu.memref_slice %arg6[%dma_start3A_962, %dma_start3A_963, %dma_start3A_964] : memref<2x1664x32xf32, #tpu.memory_space<vmem>> -> memref<1x1664x32xf32, #tpu.memory_space<vmem>>
        %dma_start3A_966 = tpu.memref_squeeze %dma_start3A_965 : memref<1x1664x32xf32, #tpu.memory_space<vmem>> -> memref<1664x32xf32, #tpu.memory_space<vmem>>
        %dma_start3A_967 = arith.constant 384 : i32
        %dma_start3A_968 = arith.constant 0 : i32
        %dma_start3A_969 = tpu.memref_slice %dma_start3A_966[%dma_start3A_967, %dma_start3A_968] : memref<1664x32xf32, #tpu.memory_space<vmem>> -> memref<128x32xf32, #tpu.memory_space<vmem>>
        %dma_start3A_970 = arith.constant 0 : i32
        %dma_start3A_971 = tpu.memref_slice %arg5[%add3A_961, %dma_start3A_970] : memref<104x128xi32, #tpu.memory_space<vmem>> -> memref<1x128xi32, #tpu.memory_space<vmem>>
        %dma_start3A_972 = tpu.memref_squeeze %dma_start3A_971 : memref<1x128xi32, #tpu.memory_space<vmem>> -> memref<128xi32, #tpu.memory_space<vmem>>
        %dma_start3A_973 = arith.constant 0 : i32
        %dma_start3A_974 = arith.constant 0 : i32
        %dma_start3A_975 = tpu.memref_slice %arg3[%dma_start3A_973, %dma_start3A_974] : memref<1048576x32xf32, #tpu.memory_space<hbm>> -> memref<1048576x32xf32, #tpu.memory_space<hbm>>
        tpu.enqueue_indirect_dma source(%dma_start3A_975 : memref<1048576x32xf32, #tpu.memory_space<hbm>>) target(%dma_start3A_969 : memref<128x32xf32, #tpu.memory_space<vmem>>) offsets(%dma_start3A_972 : memref<128xi32, #tpu.memory_space<vmem>>) semaphore(%arg7 : memref<!tpu.dma_semaphore, #tpu.memory_space<semaphore_mem>>)
        %mul3A_976 = arith.constant 13 : i32
        %mul3A_977 = arith.muli %add3A_903, %mul3A_976 : i32
        %add3A_978 = arith.constant 4 : i32
        %add3A_979 = arith.addi %mul3A_977, %add3A_978 : i32
        %dma_start3A_980 = arith.constant 0 : i32
        %dma_start3A_981 = arith.constant 0 : i32
        %dma_start3A_982 = arith.constant 0 : i32
        %dma_start3A_983 = tpu.memref_slice %arg6[%dma_start3A_980, %dma_start3A_981, %dma_start3A_982] : memref<2x1664x32xf32, #tpu.memory_space<vmem>> -> memref<1x1664x32xf32, #tpu.memory_space<vmem>>
        %dma_start3A_984 = tpu.memref_squeeze %dma_start3A_983 : memref<1x1664x32xf32, #tpu.memory_space<vmem>> -> memref<1664x32xf32, #tpu.memory_space<vmem>>
        %dma_start3A_985 = arith.constant 512 : i32
        %dma_start3A_986 = arith.constant 0 : i32
        %dma_start3A_987 = tpu.memref_slice %dma_start3A_984[%dma_start3A_985, %dma_start3A_986] : memref<1664x32xf32, #tpu.memory_space<vmem>> -> memref<128x32xf32, #tpu.memory_space<vmem>>
        %dma_start3A_988 = arith.constant 0 : i32
        %dma_start3A_989 = tpu.memref_slice %arg5[%add3A_979, %dma_start3A_988] : memref<104x128xi32, #tpu.memory_space<vmem>> -> memref<1x128xi32, #tpu.memory_space<vmem>>
        %dma_start3A_990 = tpu.memref_squeeze %dma_start3A_989 : memref<1x128xi32, #tpu.memory_space<vmem>> -> memref<128xi32, #tpu.memory_space<vmem>>
        %dma_start3A_991 = arith.constant 0 : i32
        %dma_start3A_992 = arith.constant 0 : i32
        %dma_start3A_993 = tpu.memref_slice %arg3[%dma_start3A_991, %dma_start3A_992] : memref<1048576x32xf32, #tpu.memory_space<hbm>> -> memref<1048576x32xf32, #tpu.memory_space<hbm>>
        tpu.enqueue_indirect_dma source(%dma_start3A_993 : memref<1048576x32xf32, #tpu.memory_space<hbm>>) target(%dma_start3A_987 : memref<128x32xf32, #tpu.memory_space<vmem>>) offsets(%dma_start3A_990 : memref<128xi32, #tpu.memory_space<vmem>>) semaphore(%arg7 : memref<!tpu.dma_semaphore, #tpu.memory_space<semaphore_mem>>)
        %mul3A_994 = arith.constant 13 : i32
        %mul3A_995 = arith.muli %add3A_903, %mul3A_994 : i32
        %add3A_996 = arith.constant 5 : i32
        %add3A_997 = arith.addi %mul3A_995, %add3A_996 : i32
        %dma_start3A_998 = arith.constant 0 : i32
        %dma_start3A_999 = arith.constant 0 : i32
        %dma_start3A_1000 = arith.constant 0 : i32
        %dma_start3A_1001 = tpu.memref_slice %arg6[%dma_start3A_998, %dma_start3A_999, %dma_start3A_1000] : memref<2x1664x32xf32, #tpu.memory_space<vmem>> -> memref<1x1664x32xf32, #tpu.memory_space<vmem>>
        %dma_start3A_1002 = tpu.memref_squeeze %dma_start3A_1001 : memref<1x1664x32xf32, #tpu.memory_space<vmem>> -> memref<1664x32xf32, #tpu.memory_space<vmem>>
        %dma_start3A_1003 = arith.constant 640 : i32
        %dma_start3A_1004 = arith.constant 0 : i32
        %dma_start3A_1005 = tpu.memref_slice %dma_start3A_1002[%dma_start3A_1003, %dma_start3A_1004] : memref<1664x32xf32, #tpu.memory_space<vmem>> -> memref<128x32xf32, #tpu.memory_space<vmem>>
        %dma_start3A_1006 = arith.constant 0 : i32
        %dma_start3A_1007 = tpu.memref_slice %arg5[%add3A_997, %dma_start3A_1006] : memref<104x128xi32, #tpu.memory_space<vmem>> -> memref<1x128xi32, #tpu.memory_space<vmem>>
        %dma_start3A_1008 = tpu.memref_squeeze %dma_start3A_1007 : memref<1x128xi32, #tpu.memory_space<vmem>> -> memref<128xi32, #tpu.memory_space<vmem>>
        %dma_start3A_1009 = arith.constant 0 : i32
        %dma_start3A_1010 = arith.constant 0 : i32
        %dma_start3A_1011 = tpu.memref_slice %arg3[%dma_start3A_1009, %dma_start3A_1010] : memref<1048576x32xf32, #tpu.memory_space<hbm>> -> memref<1048576x32xf32, #tpu.memory_space<hbm>>
        tpu.enqueue_indirect_dma source(%dma_start3A_1011 : memref<1048576x32xf32, #tpu.memory_space<hbm>>) target(%dma_start3A_1005 : memref<128x32xf32, #tpu.memory_space<vmem>>) offsets(%dma_start3A_1008 : memref<128xi32, #tpu.memory_space<vmem>>) semaphore(%arg7 : memref<!tpu.dma_semaphore, #tpu.memory_space<semaphore_mem>>)
        %mul3A_1012 = arith.constant 13 : i32
        %mul3A_1013 = arith.muli %add3A_903, %mul3A_1012 : i32
        %add3A_1014 = arith.constant 6 : i32
        %add3A_1015 = arith.addi %mul3A_1013, %add3A_1014 : i32
        %dma_start3A_1016 = arith.constant 0 : i32
        %dma_start3A_1017 = arith.constant 0 : i32
        %dma_start3A_1018 = arith.constant 0 : i32
        %dma_start3A_1019 = tpu.memref_slice %arg6[%dma_start3A_1016, %dma_start3A_1017, %dma_start3A_1018] : memref<2x1664x32xf32, #tpu.memory_space<vmem>> -> memref<1x1664x32xf32, #tpu.memory_space<vmem>>
        %dma_start3A_1020 = tpu.memref_squeeze %dma_start3A_1019 : memref<1x1664x32xf32, #tpu.memory_space<vmem>> -> memref<1664x32xf32, #tpu.memory_space<vmem>>
        %dma_start3A_1021 = arith.constant 768 : i32
        %dma_start3A_1022 = arith.constant 0 : i32
        %dma_start3A_1023 = tpu.memref_slice %dma_start3A_1020[%dma_start3A_1021, %dma_start3A_1022] : memref<1664x32xf32, #tpu.memory_space<vmem>> -> memref<128x32xf32, #tpu.memory_space<vmem>>
        %dma_start3A_1024 = arith.constant 0 : i32
        %dma_start3A_1025 = tpu.memref_slice %arg5[%add3A_1015, %dma_start3A_1024] : memref<104x128xi32, #tpu.memory_space<vmem>> -> memref<1x128xi32, #tpu.memory_space<vmem>>
        %dma_start3A_1026 = tpu.memref_squeeze %dma_start3A_1025 : memref<1x128xi32, #tpu.memory_space<vmem>> -> memref<128xi32, #tpu.memory_space<vmem>>
        %dma_start3A_1027 = arith.constant 0 : i32
        %dma_start3A_1028 = arith.constant 0 : i32
        %dma_start3A_1029 = tpu.memref_slice %arg3[%dma_start3A_1027, %dma_start3A_1028] : memref<1048576x32xf32, #tpu.memory_space<hbm>> -> memref<1048576x32xf32, #tpu.memory_space<hbm>>
        tpu.enqueue_indirect_dma source(%dma_start3A_1029 : memref<1048576x32xf32, #tpu.memory_space<hbm>>) target(%dma_start3A_1023 : memref<128x32xf32, #tpu.memory_space<vmem>>) offsets(%dma_start3A_1026 : memref<128xi32, #tpu.memory_space<vmem>>) semaphore(%arg7 : memref<!tpu.dma_semaphore, #tpu.memory_space<semaphore_mem>>)
        %mul3A_1030 = arith.constant 13 : i32
        %mul3A_1031 = arith.muli %add3A_903, %mul3A_1030 : i32
        %add3A_1032 = arith.constant 7 : i32
        %add3A_1033 = arith.addi %mul3A_1031, %add3A_1032 : i32
        %dma_start3A_1034 = arith.constant 0 : i32
        %dma_start3A_1035 = arith.constant 0 : i32
        %dma_start3A_1036 = arith.constant 0 : i32
        %dma_start3A_1037 = tpu.memref_slice %arg6[%dma_start3A_1034, %dma_start3A_1035, %dma_start3A_1036] : memref<2x1664x32xf32, #tpu.memory_space<vmem>> -> memref<1x1664x32xf32, #tpu.memory_space<vmem>>
        %dma_start3A_1038 = tpu.memref_squeeze %dma_start3A_1037 : memref<1x1664x32xf32, #tpu.memory_space<vmem>> -> memref<1664x32xf32, #tpu.memory_space<vmem>>
        %dma_start3A_1039 = arith.constant 896 : i32
        %dma_start3A_1040 = arith.constant 0 : i32
        %dma_start3A_1041 = tpu.memref_slice %dma_start3A_1038[%dma_start3A_1039, %dma_start3A_1040] : memref<1664x32xf32, #tpu.memory_space<vmem>> -> memref<128x32xf32, #tpu.memory_space<vmem>>
        %dma_start3A_1042 = arith.constant 0 : i32
        %dma_start3A_1043 = tpu.memref_slice %arg5[%add3A_1033, %dma_start3A_1042] : memref<104x128xi32, #tpu.memory_space<vmem>> -> memref<1x128xi32, #tpu.memory_space<vmem>>
        %dma_start3A_1044 = tpu.memref_squeeze %dma_start3A_1043 : memref<1x128xi32, #tpu.memory_space<vmem>> -> memref<128xi32, #tpu.memory_space<vmem>>
        %dma_start3A_1045 = arith.constant 0 : i32
        %dma_start3A_1046 = arith.constant 0 : i32
        %dma_start3A_1047 = tpu.memref_slice %arg3[%dma_start3A_1045, %dma_start3A_1046] : memref<1048576x32xf32, #tpu.memory_space<hbm>> -> memref<1048576x32xf32, #tpu.memory_space<hbm>>
        tpu.enqueue_indirect_dma source(%dma_start3A_1047 : memref<1048576x32xf32, #tpu.memory_space<hbm>>) target(%dma_start3A_1041 : memref<128x32xf32, #tpu.memory_space<vmem>>) offsets(%dma_start3A_1044 : memref<128xi32, #tpu.memory_space<vmem>>) semaphore(%arg7 : memref<!tpu.dma_semaphore, #tpu.memory_space<semaphore_mem>>)
        %mul3A_1048 = arith.constant 13 : i32
        %mul3A_1049 = arith.muli %add3A_903, %mul3A_1048 : i32
        %add3A_1050 = arith.constant 8 : i32
        %add3A_1051 = arith.addi %mul3A_1049, %add3A_1050 : i32
        %dma_start3A_1052 = arith.constant 0 : i32
        %dma_start3A_1053 = arith.constant 0 : i32
        %dma_start3A_1054 = arith.constant 0 : i32
        %dma_start3A_1055 = tpu.memref_slice %arg6[%dma_start3A_1052, %dma_start3A_1053, %dma_start3A_1054] : memref<2x1664x32xf32, #tpu.memory_space<vmem>> -> memref<1x1664x32xf32, #tpu.memory_space<vmem>>
        %dma_start3A_1056 = tpu.memref_squeeze %dma_start3A_1055 : memref<1x1664x32xf32, #tpu.memory_space<vmem>> -> memref<1664x32xf32, #tpu.memory_space<vmem>>
        %dma_start3A_1057 = arith.constant 1024 : i32
        %dma_start3A_1058 = arith.constant 0 : i32
        %dma_start3A_1059 = tpu.memref_slice %dma_start3A_1056[%dma_start3A_1057, %dma_start3A_1058] : memref<1664x32xf32, #tpu.memory_space<vmem>> -> memref<128x32xf32, #tpu.memory_space<vmem>>
        %dma_start3A_1060 = arith.constant 0 : i32
        %dma_start3A_1061 = tpu.memref_slice %arg5[%add3A_1051, %dma_start3A_1060] : memref<104x128xi32, #tpu.memory_space<vmem>> -> memref<1x128xi32, #tpu.memory_space<vmem>>
        %dma_start3A_1062 = tpu.memref_squeeze %dma_start3A_1061 : memref<1x128xi32, #tpu.memory_space<vmem>> -> memref<128xi32, #tpu.memory_space<vmem>>
        %dma_start3A_1063 = arith.constant 0 : i32
        %dma_start3A_1064 = arith.constant 0 : i32
        %dma_start3A_1065 = tpu.memref_slice %arg3[%dma_start3A_1063, %dma_start3A_1064] : memref<1048576x32xf32, #tpu.memory_space<hbm>> -> memref<1048576x32xf32, #tpu.memory_space<hbm>>
        tpu.enqueue_indirect_dma source(%dma_start3A_1065 : memref<1048576x32xf32, #tpu.memory_space<hbm>>) target(%dma_start3A_1059 : memref<128x32xf32, #tpu.memory_space<vmem>>) offsets(%dma_start3A_1062 : memref<128xi32, #tpu.memory_space<vmem>>) semaphore(%arg7 : memref<!tpu.dma_semaphore, #tpu.memory_space<semaphore_mem>>)
        %mul3A_1066 = arith.constant 13 : i32
        %mul3A_1067 = arith.muli %add3A_903, %mul3A_1066 : i32
        %add3A_1068 = arith.constant 9 : i32
        %add3A_1069 = arith.addi %mul3A_1067, %add3A_1068 : i32
        %dma_start3A_1070 = arith.constant 0 : i32
        %dma_start3A_1071 = arith.constant 0 : i32
        %dma_start3A_1072 = arith.constant 0 : i32
        %dma_start3A_1073 = tpu.memref_slice %arg6[%dma_start3A_1070, %dma_start3A_1071, %dma_start3A_1072] : memref<2x1664x32xf32, #tpu.memory_space<vmem>> -> memref<1x1664x32xf32, #tpu.memory_space<vmem>>
        %dma_start3A_1074 = tpu.memref_squeeze %dma_start3A_1073 : memref<1x1664x32xf32, #tpu.memory_space<vmem>> -> memref<1664x32xf32, #tpu.memory_space<vmem>>
        %dma_start3A_1075 = arith.constant 1152 : i32
        %dma_start3A_1076 = arith.constant 0 : i32
        %dma_start3A_1077 = tpu.memref_slice %dma_start3A_1074[%dma_start3A_1075, %dma_start3A_1076] : memref<1664x32xf32, #tpu.memory_space<vmem>> -> memref<128x32xf32, #tpu.memory_space<vmem>>
        %dma_start3A_1078 = arith.constant 0 : i32
        %dma_start3A_1079 = tpu.memref_slice %arg5[%add3A_1069, %dma_start3A_1078] : memref<104x128xi32, #tpu.memory_space<vmem>> -> memref<1x128xi32, #tpu.memory_space<vmem>>
        %dma_start3A_1080 = tpu.memref_squeeze %dma_start3A_1079 : memref<1x128xi32, #tpu.memory_space<vmem>> -> memref<128xi32, #tpu.memory_space<vmem>>
        %dma_start3A_1081 = arith.constant 0 : i32
        %dma_start3A_1082 = arith.constant 0 : i32
        %dma_start3A_1083 = tpu.memref_slice %arg3[%dma_start3A_1081, %dma_start3A_1082] : memref<1048576x32xf32, #tpu.memory_space<hbm>> -> memref<1048576x32xf32, #tpu.memory_space<hbm>>
        tpu.enqueue_indirect_dma source(%dma_start3A_1083 : memref<1048576x32xf32, #tpu.memory_space<hbm>>) target(%dma_start3A_1077 : memref<128x32xf32, #tpu.memory_space<vmem>>) offsets(%dma_start3A_1080 : memref<128xi32, #tpu.memory_space<vmem>>) semaphore(%arg7 : memref<!tpu.dma_semaphore, #tpu.memory_space<semaphore_mem>>)
        %mul3A_1084 = arith.constant 13 : i32
        %mul3A_1085 = arith.muli %add3A_903, %mul3A_1084 : i32
        %add3A_1086 = arith.constant 10 : i32
        %add3A_1087 = arith.addi %mul3A_1085, %add3A_1086 : i32
        %dma_start3A_1088 = arith.constant 0 : i32
        %dma_start3A_1089 = arith.constant 0 : i32
        %dma_start3A_1090 = arith.constant 0 : i32
        %dma_start3A_1091 = tpu.memref_slice %arg6[%dma_start3A_1088, %dma_start3A_1089, %dma_start3A_1090] : memref<2x1664x32xf32, #tpu.memory_space<vmem>> -> memref<1x1664x32xf32, #tpu.memory_space<vmem>>
        %dma_start3A_1092 = tpu.memref_squeeze %dma_start3A_1091 : memref<1x1664x32xf32, #tpu.memory_space<vmem>> -> memref<1664x32xf32, #tpu.memory_space<vmem>>
        %dma_start3A_1093 = arith.constant 1280 : i32
        %dma_start3A_1094 = arith.constant 0 : i32
        %dma_start3A_1095 = tpu.memref_slice %dma_start3A_1092[%dma_start3A_1093, %dma_start3A_1094] : memref<1664x32xf32, #tpu.memory_space<vmem>> -> memref<128x32xf32, #tpu.memory_space<vmem>>
        %dma_start3A_1096 = arith.constant 0 : i32
        %dma_start3A_1097 = tpu.memref_slice %arg5[%add3A_1087, %dma_start3A_1096] : memref<104x128xi32, #tpu.memory_space<vmem>> -> memref<1x128xi32, #tpu.memory_space<vmem>>
        %dma_start3A_1098 = tpu.memref_squeeze %dma_start3A_1097 : memref<1x128xi32, #tpu.memory_space<vmem>> -> memref<128xi32, #tpu.memory_space<vmem>>
        %dma_start3A_1099 = arith.constant 0 : i32
        %dma_start3A_1100 = arith.constant 0 : i32
        %dma_start3A_1101 = tpu.memref_slice %arg3[%dma_start3A_1099, %dma_start3A_1100] : memref<1048576x32xf32, #tpu.memory_space<hbm>> -> memref<1048576x32xf32, #tpu.memory_space<hbm>>
        tpu.enqueue_indirect_dma source(%dma_start3A_1101 : memref<1048576x32xf32, #tpu.memory_space<hbm>>) target(%dma_start3A_1095 : memref<128x32xf32, #tpu.memory_space<vmem>>) offsets(%dma_start3A_1098 : memref<128xi32, #tpu.memory_space<vmem>>) semaphore(%arg7 : memref<!tpu.dma_semaphore, #tpu.memory_space<semaphore_mem>>)
        %mul3A_1102 = arith.constant 13 : i32
        %mul3A_1103 = arith.muli %add3A_903, %mul3A_1102 : i32
        %add3A_1104 = arith.constant 11 : i32
        %add3A_1105 = arith.addi %mul3A_1103, %add3A_1104 : i32
        %dma_start3A_1106 = arith.constant 0 : i32
        %dma_start3A_1107 = arith.constant 0 : i32
        %dma_start3A_1108 = arith.constant 0 : i32
        %dma_start3A_1109 = tpu.memref_slice %arg6[%dma_start3A_1106, %dma_start3A_1107, %dma_start3A_1108] : memref<2x1664x32xf32, #tpu.memory_space<vmem>> -> memref<1x1664x32xf32, #tpu.memory_space<vmem>>
        %dma_start3A_1110 = tpu.memref_squeeze %dma_start3A_1109 : memref<1x1664x32xf32, #tpu.memory_space<vmem>> -> memref<1664x32xf32, #tpu.memory_space<vmem>>
        %dma_start3A_1111 = arith.constant 1408 : i32
        %dma_start3A_1112 = arith.constant 0 : i32
        %dma_start3A_1113 = tpu.memref_slice %dma_start3A_1110[%dma_start3A_1111, %dma_start3A_1112] : memref<1664x32xf32, #tpu.memory_space<vmem>> -> memref<128x32xf32, #tpu.memory_space<vmem>>
        %dma_start3A_1114 = arith.constant 0 : i32
        %dma_start3A_1115 = tpu.memref_slice %arg5[%add3A_1105, %dma_start3A_1114] : memref<104x128xi32, #tpu.memory_space<vmem>> -> memref<1x128xi32, #tpu.memory_space<vmem>>
        %dma_start3A_1116 = tpu.memref_squeeze %dma_start3A_1115 : memref<1x128xi32, #tpu.memory_space<vmem>> -> memref<128xi32, #tpu.memory_space<vmem>>
        %dma_start3A_1117 = arith.constant 0 : i32
        %dma_start3A_1118 = arith.constant 0 : i32
        %dma_start3A_1119 = tpu.memref_slice %arg3[%dma_start3A_1117, %dma_start3A_1118] : memref<1048576x32xf32, #tpu.memory_space<hbm>> -> memref<1048576x32xf32, #tpu.memory_space<hbm>>
        tpu.enqueue_indirect_dma source(%dma_start3A_1119 : memref<1048576x32xf32, #tpu.memory_space<hbm>>) target(%dma_start3A_1113 : memref<128x32xf32, #tpu.memory_space<vmem>>) offsets(%dma_start3A_1116 : memref<128xi32, #tpu.memory_space<vmem>>) semaphore(%arg7 : memref<!tpu.dma_semaphore, #tpu.memory_space<semaphore_mem>>)
        %mul3A_1120 = arith.constant 13 : i32
        %mul3A_1121 = arith.muli %add3A_903, %mul3A_1120 : i32
        %add3A_1122 = arith.constant 12 : i32
        %add3A_1123 = arith.addi %mul3A_1121, %add3A_1122 : i32
        %dma_start3A_1124 = arith.constant 0 : i32
        %dma_start3A_1125 = arith.constant 0 : i32
        %dma_start3A_1126 = arith.constant 0 : i32
        %dma_start3A_1127 = tpu.memref_slice %arg6[%dma_start3A_1124, %dma_start3A_1125, %dma_start3A_1126] : memref<2x1664x32xf32, #tpu.memory_space<vmem>> -> memref<1x1664x32xf32, #tpu.memory_space<vmem>>
        %dma_start3A_1128 = tpu.memref_squeeze %dma_start3A_1127 : memref<1x1664x32xf32, #tpu.memory_space<vmem>> -> memref<1664x32xf32, #tpu.memory_space<vmem>>
        %dma_start3A_1129 = arith.constant 1536 : i32
        %dma_start3A_1130 = arith.constant 0 : i32
        %dma_start3A_1131 = tpu.memref_slice %dma_start3A_1128[%dma_start3A_1129, %dma_start3A_1130] : memref<1664x32xf32, #tpu.memory_space<vmem>> -> memref<128x32xf32, #tpu.memory_space<vmem>>
        %dma_start3A_1132 = arith.constant 0 : i32
        %dma_start3A_1133 = tpu.memref_slice %arg5[%add3A_1123, %dma_start3A_1132] : memref<104x128xi32, #tpu.memory_space<vmem>> -> memref<1x128xi32, #tpu.memory_space<vmem>>
        %dma_start3A_1134 = tpu.memref_squeeze %dma_start3A_1133 : memref<1x128xi32, #tpu.memory_space<vmem>> -> memref<128xi32, #tpu.memory_space<vmem>>
        %dma_start3A_1135 = arith.constant 0 : i32
        %dma_start3A_1136 = arith.constant 0 : i32
        %dma_start3A_1137 = tpu.memref_slice %arg3[%dma_start3A_1135, %dma_start3A_1136] : memref<1048576x32xf32, #tpu.memory_space<hbm>> -> memref<1048576x32xf32, #tpu.memory_space<hbm>>
        tpu.enqueue_indirect_dma source(%dma_start3A_1137 : memref<1048576x32xf32, #tpu.memory_space<hbm>>) target(%dma_start3A_1131 : memref<128x32xf32, #tpu.memory_space<vmem>>) offsets(%dma_start3A_1134 : memref<128xi32, #tpu.memory_space<vmem>>) semaphore(%arg7 : memref<!tpu.dma_semaphore, #tpu.memory_space<semaphore_mem>>)
      } else {
      }
      %dma_wait3A_691 = arith.constant 0 : i32
      %dma_wait3A_692 = arith.constant 1 : i32
      %dma_wait3A_693 = arith.constant 0 : i32
      %dma_wait3A_694 = arith.constant 0 : i32
      %dma_wait3A_695 = tpu.memref_slice %arg6[%dma_wait3A_692, %dma_wait3A_693, %dma_wait3A_694] : memref<2x1664x32xf32, #tpu.memory_space<vmem>> -> memref<1x1664x32xf32, #tpu.memory_space<vmem>>
      %dma_wait3A_696 = tpu.memref_squeeze %dma_wait3A_695 : memref<1x1664x32xf32, #tpu.memory_space<vmem>> -> memref<1664x32xf32, #tpu.memory_space<vmem>>
      %dma_wait3A_697 = arith.constant 0 : i32
      %dma_wait3A_698 = arith.constant 0 : i32
      %dma_wait3A_699 = tpu.memref_slice %dma_wait3A_696[%dma_wait3A_697, %dma_wait3A_698] : memref<1664x32xf32, #tpu.memory_space<vmem>> -> memref<128x32xf32, #tpu.memory_space<vmem>>
      %dma_wait3A_700 = arith.constant 0 : i32
      %dma_wait3A_701 = tpu.memref_slice %arg5[%dma_wait3A_691, %dma_wait3A_700] : memref<104x128xi32, #tpu.memory_space<vmem>> -> memref<1x128xi32, #tpu.memory_space<vmem>>
      %dma_wait3A_702 = tpu.memref_squeeze %dma_wait3A_701 : memref<1x128xi32, #tpu.memory_space<vmem>> -> memref<128xi32, #tpu.memory_space<vmem>>
      %dma_wait3A_703 = arith.constant 0 : i32
      %dma_wait3A_704 = arith.constant 0 : i32
      %dma_wait3A_705 = tpu.memref_slice %arg3[%dma_wait3A_703, %dma_wait3A_704] : memref<1048576x32xf32, #tpu.memory_space<hbm>> -> memref<1048576x32xf32, #tpu.memory_space<hbm>>
      tpu.wait_indirect_dma semaphore(%arg8 : memref<!tpu.dma_semaphore, #tpu.memory_space<semaphore_mem>>) src(%dma_wait3A_705 : memref<1048576x32xf32, #tpu.memory_space<hbm>>) dst(%dma_wait3A_699 : memref<128x32xf32, #tpu.memory_space<vmem>>)
      %dma_wait3A_706 = arith.constant 0 : i32
      %dma_wait3A_707 = arith.constant 1 : i32
      %dma_wait3A_708 = arith.constant 0 : i32
      %dma_wait3A_709 = arith.constant 0 : i32
      %dma_wait3A_710 = tpu.memref_slice %arg6[%dma_wait3A_707, %dma_wait3A_708, %dma_wait3A_709] : memref<2x1664x32xf32, #tpu.memory_space<vmem>> -> memref<1x1664x32xf32, #tpu.memory_space<vmem>>
      %dma_wait3A_711 = tpu.memref_squeeze %dma_wait3A_710 : memref<1x1664x32xf32, #tpu.memory_space<vmem>> -> memref<1664x32xf32, #tpu.memory_space<vmem>>
      %dma_wait3A_712 = arith.constant 128 : i32
      %dma_wait3A_713 = arith.constant 0 : i32
      %dma_wait3A_714 = tpu.memref_slice %dma_wait3A_711[%dma_wait3A_712, %dma_wait3A_713] : memref<1664x32xf32, #tpu.memory_space<vmem>> -> memref<128x32xf32, #tpu.memory_space<vmem>>
      %dma_wait3A_715 = arith.constant 0 : i32
      %dma_wait3A_716 = tpu.memref_slice %arg5[%dma_wait3A_706, %dma_wait3A_715] : memref<104x128xi32, #tpu.memory_space<vmem>> -> memref<1x128xi32, #tpu.memory_space<vmem>>
      %dma_wait3A_717 = tpu.memref_squeeze %dma_wait3A_716 : memref<1x128xi32, #tpu.memory_space<vmem>> -> memref<128xi32, #tpu.memory_space<vmem>>
      %dma_wait3A_718 = arith.constant 0 : i32
      %dma_wait3A_719 = arith.constant 0 : i32
      %dma_wait3A_720 = tpu.memref_slice %arg3[%dma_wait3A_718, %dma_wait3A_719] : memref<1048576x32xf32, #tpu.memory_space<hbm>> -> memref<1048576x32xf32, #tpu.memory_space<hbm>>
      tpu.wait_indirect_dma semaphore(%arg8 : memref<!tpu.dma_semaphore, #tpu.memory_space<semaphore_mem>>) src(%dma_wait3A_720 : memref<1048576x32xf32, #tpu.memory_space<hbm>>) dst(%dma_wait3A_714 : memref<128x32xf32, #tpu.memory_space<vmem>>)
      %dma_wait3A_721 = arith.constant 0 : i32
      %dma_wait3A_722 = arith.constant 1 : i32
      %dma_wait3A_723 = arith.constant 0 : i32
      %dma_wait3A_724 = arith.constant 0 : i32
      %dma_wait3A_725 = tpu.memref_slice %arg6[%dma_wait3A_722, %dma_wait3A_723, %dma_wait3A_724] : memref<2x1664x32xf32, #tpu.memory_space<vmem>> -> memref<1x1664x32xf32, #tpu.memory_space<vmem>>
      %dma_wait3A_726 = tpu.memref_squeeze %dma_wait3A_725 : memref<1x1664x32xf32, #tpu.memory_space<vmem>> -> memref<1664x32xf32, #tpu.memory_space<vmem>>
      %dma_wait3A_727 = arith.constant 256 : i32
      %dma_wait3A_728 = arith.constant 0 : i32
      %dma_wait3A_729 = tpu.memref_slice %dma_wait3A_726[%dma_wait3A_727, %dma_wait3A_728] : memref<1664x32xf32, #tpu.memory_space<vmem>> -> memref<128x32xf32, #tpu.memory_space<vmem>>
      %dma_wait3A_730 = arith.constant 0 : i32
      %dma_wait3A_731 = tpu.memref_slice %arg5[%dma_wait3A_721, %dma_wait3A_730] : memref<104x128xi32, #tpu.memory_space<vmem>> -> memref<1x128xi32, #tpu.memory_space<vmem>>
      %dma_wait3A_732 = tpu.memref_squeeze %dma_wait3A_731 : memref<1x128xi32, #tpu.memory_space<vmem>> -> memref<128xi32, #tpu.memory_space<vmem>>
      %dma_wait3A_733 = arith.constant 0 : i32
      %dma_wait3A_734 = arith.constant 0 : i32
      %dma_wait3A_735 = tpu.memref_slice %arg3[%dma_wait3A_733, %dma_wait3A_734] : memref<1048576x32xf32, #tpu.memory_space<hbm>> -> memref<1048576x32xf32, #tpu.memory_space<hbm>>
      tpu.wait_indirect_dma semaphore(%arg8 : memref<!tpu.dma_semaphore, #tpu.memory_space<semaphore_mem>>) src(%dma_wait3A_735 : memref<1048576x32xf32, #tpu.memory_space<hbm>>) dst(%dma_wait3A_729 : memref<128x32xf32, #tpu.memory_space<vmem>>)
      %dma_wait3A_736 = arith.constant 0 : i32
      %dma_wait3A_737 = arith.constant 1 : i32
      %dma_wait3A_738 = arith.constant 0 : i32
      %dma_wait3A_739 = arith.constant 0 : i32
      %dma_wait3A_740 = tpu.memref_slice %arg6[%dma_wait3A_737, %dma_wait3A_738, %dma_wait3A_739] : memref<2x1664x32xf32, #tpu.memory_space<vmem>> -> memref<1x1664x32xf32, #tpu.memory_space<vmem>>
      %dma_wait3A_741 = tpu.memref_squeeze %dma_wait3A_740 : memref<1x1664x32xf32, #tpu.memory_space<vmem>> -> memref<1664x32xf32, #tpu.memory_space<vmem>>
      %dma_wait3A_742 = arith.constant 384 : i32
      %dma_wait3A_743 = arith.constant 0 : i32
      %dma_wait3A_744 = tpu.memref_slice %dma_wait3A_741[%dma_wait3A_742, %dma_wait3A_743] : memref<1664x32xf32, #tpu.memory_space<vmem>> -> memref<128x32xf32, #tpu.memory_space<vmem>>
      %dma_wait3A_745 = arith.constant 0 : i32
      %dma_wait3A_746 = tpu.memref_slice %arg5[%dma_wait3A_736, %dma_wait3A_745] : memref<104x128xi32, #tpu.memory_space<vmem>> -> memref<1x128xi32, #tpu.memory_space<vmem>>
      %dma_wait3A_747 = tpu.memref_squeeze %dma_wait3A_746 : memref<1x128xi32, #tpu.memory_space<vmem>> -> memref<128xi32, #tpu.memory_space<vmem>>
      %dma_wait3A_748 = arith.constant 0 : i32
      %dma_wait3A_749 = arith.constant 0 : i32
      %dma_wait3A_750 = tpu.memref_slice %arg3[%dma_wait3A_748, %dma_wait3A_749] : memref<1048576x32xf32, #tpu.memory_space<hbm>> -> memref<1048576x32xf32, #tpu.memory_space<hbm>>
      tpu.wait_indirect_dma semaphore(%arg8 : memref<!tpu.dma_semaphore, #tpu.memory_space<semaphore_mem>>) src(%dma_wait3A_750 : memref<1048576x32xf32, #tpu.memory_space<hbm>>) dst(%dma_wait3A_744 : memref<128x32xf32, #tpu.memory_space<vmem>>)
      %dma_wait3A_751 = arith.constant 0 : i32
      %dma_wait3A_752 = arith.constant 1 : i32
      %dma_wait3A_753 = arith.constant 0 : i32
      %dma_wait3A_754 = arith.constant 0 : i32
      %dma_wait3A_755 = tpu.memref_slice %arg6[%dma_wait3A_752, %dma_wait3A_753, %dma_wait3A_754] : memref<2x1664x32xf32, #tpu.memory_space<vmem>> -> memref<1x1664x32xf32, #tpu.memory_space<vmem>>
      %dma_wait3A_756 = tpu.memref_squeeze %dma_wait3A_755 : memref<1x1664x32xf32, #tpu.memory_space<vmem>> -> memref<1664x32xf32, #tpu.memory_space<vmem>>
      %dma_wait3A_757 = arith.constant 512 : i32
      %dma_wait3A_758 = arith.constant 0 : i32
      %dma_wait3A_759 = tpu.memref_slice %dma_wait3A_756[%dma_wait3A_757, %dma_wait3A_758] : memref<1664x32xf32, #tpu.memory_space<vmem>> -> memref<128x32xf32, #tpu.memory_space<vmem>>
      %dma_wait3A_760 = arith.constant 0 : i32
      %dma_wait3A_761 = tpu.memref_slice %arg5[%dma_wait3A_751, %dma_wait3A_760] : memref<104x128xi32, #tpu.memory_space<vmem>> -> memref<1x128xi32, #tpu.memory_space<vmem>>
      %dma_wait3A_762 = tpu.memref_squeeze %dma_wait3A_761 : memref<1x128xi32, #tpu.memory_space<vmem>> -> memref<128xi32, #tpu.memory_space<vmem>>
      %dma_wait3A_763 = arith.constant 0 : i32
      %dma_wait3A_764 = arith.constant 0 : i32
      %dma_wait3A_765 = tpu.memref_slice %arg3[%dma_wait3A_763, %dma_wait3A_764] : memref<1048576x32xf32, #tpu.memory_space<hbm>> -> memref<1048576x32xf32, #tpu.memory_space<hbm>>
      tpu.wait_indirect_dma semaphore(%arg8 : memref<!tpu.dma_semaphore, #tpu.memory_space<semaphore_mem>>) src(%dma_wait3A_765 : memref<1048576x32xf32, #tpu.memory_space<hbm>>) dst(%dma_wait3A_759 : memref<128x32xf32, #tpu.memory_space<vmem>>)
      %dma_wait3A_766 = arith.constant 0 : i32
      %dma_wait3A_767 = arith.constant 1 : i32
      %dma_wait3A_768 = arith.constant 0 : i32
      %dma_wait3A_769 = arith.constant 0 : i32
      %dma_wait3A_770 = tpu.memref_slice %arg6[%dma_wait3A_767, %dma_wait3A_768, %dma_wait3A_769] : memref<2x1664x32xf32, #tpu.memory_space<vmem>> -> memref<1x1664x32xf32, #tpu.memory_space<vmem>>
      %dma_wait3A_771 = tpu.memref_squeeze %dma_wait3A_770 : memref<1x1664x32xf32, #tpu.memory_space<vmem>> -> memref<1664x32xf32, #tpu.memory_space<vmem>>
      %dma_wait3A_772 = arith.constant 640 : i32
      %dma_wait3A_773 = arith.constant 0 : i32
      %dma_wait3A_774 = tpu.memref_slice %dma_wait3A_771[%dma_wait3A_772, %dma_wait3A_773] : memref<1664x32xf32, #tpu.memory_space<vmem>> -> memref<128x32xf32, #tpu.memory_space<vmem>>
      %dma_wait3A_775 = arith.constant 0 : i32
      %dma_wait3A_776 = tpu.memref_slice %arg5[%dma_wait3A_766, %dma_wait3A_775] : memref<104x128xi32, #tpu.memory_space<vmem>> -> memref<1x128xi32, #tpu.memory_space<vmem>>
      %dma_wait3A_777 = tpu.memref_squeeze %dma_wait3A_776 : memref<1x128xi32, #tpu.memory_space<vmem>> -> memref<128xi32, #tpu.memory_space<vmem>>
      %dma_wait3A_778 = arith.constant 0 : i32
      %dma_wait3A_779 = arith.constant 0 : i32
      %dma_wait3A_780 = tpu.memref_slice %arg3[%dma_wait3A_778, %dma_wait3A_779] : memref<1048576x32xf32, #tpu.memory_space<hbm>> -> memref<1048576x32xf32, #tpu.memory_space<hbm>>
      tpu.wait_indirect_dma semaphore(%arg8 : memref<!tpu.dma_semaphore, #tpu.memory_space<semaphore_mem>>) src(%dma_wait3A_780 : memref<1048576x32xf32, #tpu.memory_space<hbm>>) dst(%dma_wait3A_774 : memref<128x32xf32, #tpu.memory_space<vmem>>)
      %dma_wait3A_781 = arith.constant 0 : i32
      %dma_wait3A_782 = arith.constant 1 : i32
      %dma_wait3A_783 = arith.constant 0 : i32
      %dma_wait3A_784 = arith.constant 0 : i32
      %dma_wait3A_785 = tpu.memref_slice %arg6[%dma_wait3A_782, %dma_wait3A_783, %dma_wait3A_784] : memref<2x1664x32xf32, #tpu.memory_space<vmem>> -> memref<1x1664x32xf32, #tpu.memory_space<vmem>>
      %dma_wait3A_786 = tpu.memref_squeeze %dma_wait3A_785 : memref<1x1664x32xf32, #tpu.memory_space<vmem>> -> memref<1664x32xf32, #tpu.memory_space<vmem>>
      %dma_wait3A_787 = arith.constant 768 : i32
      %dma_wait3A_788 = arith.constant 0 : i32
      %dma_wait3A_789 = tpu.memref_slice %dma_wait3A_786[%dma_wait3A_787, %dma_wait3A_788] : memref<1664x32xf32, #tpu.memory_space<vmem>> -> memref<128x32xf32, #tpu.memory_space<vmem>>
      %dma_wait3A_790 = arith.constant 0 : i32
      %dma_wait3A_791 = tpu.memref_slice %arg5[%dma_wait3A_781, %dma_wait3A_790] : memref<104x128xi32, #tpu.memory_space<vmem>> -> memref<1x128xi32, #tpu.memory_space<vmem>>
      %dma_wait3A_792 = tpu.memref_squeeze %dma_wait3A_791 : memref<1x128xi32, #tpu.memory_space<vmem>> -> memref<128xi32, #tpu.memory_space<vmem>>
      %dma_wait3A_793 = arith.constant 0 : i32
      %dma_wait3A_794 = arith.constant 0 : i32
      %dma_wait3A_795 = tpu.memref_slice %arg3[%dma_wait3A_793, %dma_wait3A_794] : memref<1048576x32xf32, #tpu.memory_space<hbm>> -> memref<1048576x32xf32, #tpu.memory_space<hbm>>
      tpu.wait_indirect_dma semaphore(%arg8 : memref<!tpu.dma_semaphore, #tpu.memory_space<semaphore_mem>>) src(%dma_wait3A_795 : memref<1048576x32xf32, #tpu.memory_space<hbm>>) dst(%dma_wait3A_789 : memref<128x32xf32, #tpu.memory_space<vmem>>)
      %dma_wait3A_796 = arith.constant 0 : i32
      %dma_wait3A_797 = arith.constant 1 : i32
      %dma_wait3A_798 = arith.constant 0 : i32
      %dma_wait3A_799 = arith.constant 0 : i32
      %dma_wait3A_800 = tpu.memref_slice %arg6[%dma_wait3A_797, %dma_wait3A_798, %dma_wait3A_799] : memref<2x1664x32xf32, #tpu.memory_space<vmem>> -> memref<1x1664x32xf32, #tpu.memory_space<vmem>>
      %dma_wait3A_801 = tpu.memref_squeeze %dma_wait3A_800 : memref<1x1664x32xf32, #tpu.memory_space<vmem>> -> memref<1664x32xf32, #tpu.memory_space<vmem>>
      %dma_wait3A_802 = arith.constant 896 : i32
      %dma_wait3A_803 = arith.constant 0 : i32
      %dma_wait3A_804 = tpu.memref_slice %dma_wait3A_801[%dma_wait3A_802, %dma_wait3A_803] : memref<1664x32xf32, #tpu.memory_space<vmem>> -> memref<128x32xf32, #tpu.memory_space<vmem>>
      %dma_wait3A_805 = arith.constant 0 : i32
      %dma_wait3A_806 = tpu.memref_slice %arg5[%dma_wait3A_796, %dma_wait3A_805] : memref<104x128xi32, #tpu.memory_space<vmem>> -> memref<1x128xi32, #tpu.memory_space<vmem>>
      %dma_wait3A_807 = tpu.memref_squeeze %dma_wait3A_806 : memref<1x128xi32, #tpu.memory_space<vmem>> -> memref<128xi32, #tpu.memory_space<vmem>>
      %dma_wait3A_808 = arith.constant 0 : i32
      %dma_wait3A_809 = arith.constant 0 : i32
      %dma_wait3A_810 = tpu.memref_slice %arg3[%dma_wait3A_808, %dma_wait3A_809] : memref<1048576x32xf32, #tpu.memory_space<hbm>> -> memref<1048576x32xf32, #tpu.memory_space<hbm>>
      tpu.wait_indirect_dma semaphore(%arg8 : memref<!tpu.dma_semaphore, #tpu.memory_space<semaphore_mem>>) src(%dma_wait3A_810 : memref<1048576x32xf32, #tpu.memory_space<hbm>>) dst(%dma_wait3A_804 : memref<128x32xf32, #tpu.memory_space<vmem>>)
      %dma_wait3A_811 = arith.constant 0 : i32
      %dma_wait3A_812 = arith.constant 1 : i32
      %dma_wait3A_813 = arith.constant 0 : i32
      %dma_wait3A_814 = arith.constant 0 : i32
      %dma_wait3A_815 = tpu.memref_slice %arg6[%dma_wait3A_812, %dma_wait3A_813, %dma_wait3A_814] : memref<2x1664x32xf32, #tpu.memory_space<vmem>> -> memref<1x1664x32xf32, #tpu.memory_space<vmem>>
      %dma_wait3A_816 = tpu.memref_squeeze %dma_wait3A_815 : memref<1x1664x32xf32, #tpu.memory_space<vmem>> -> memref<1664x32xf32, #tpu.memory_space<vmem>>
      %dma_wait3A_817 = arith.constant 1024 : i32
      %dma_wait3A_818 = arith.constant 0 : i32
      %dma_wait3A_819 = tpu.memref_slice %dma_wait3A_816[%dma_wait3A_817, %dma_wait3A_818] : memref<1664x32xf32, #tpu.memory_space<vmem>> -> memref<128x32xf32, #tpu.memory_space<vmem>>
      %dma_wait3A_820 = arith.constant 0 : i32
      %dma_wait3A_821 = tpu.memref_slice %arg5[%dma_wait3A_811, %dma_wait3A_820] : memref<104x128xi32, #tpu.memory_space<vmem>> -> memref<1x128xi32, #tpu.memory_space<vmem>>
      %dma_wait3A_822 = tpu.memref_squeeze %dma_wait3A_821 : memref<1x128xi32, #tpu.memory_space<vmem>> -> memref<128xi32, #tpu.memory_space<vmem>>
      %dma_wait3A_823 = arith.constant 0 : i32
      %dma_wait3A_824 = arith.constant 0 : i32
      %dma_wait3A_825 = tpu.memref_slice %arg3[%dma_wait3A_823, %dma_wait3A_824] : memref<1048576x32xf32, #tpu.memory_space<hbm>> -> memref<1048576x32xf32, #tpu.memory_space<hbm>>
      tpu.wait_indirect_dma semaphore(%arg8 : memref<!tpu.dma_semaphore, #tpu.memory_space<semaphore_mem>>) src(%dma_wait3A_825 : memref<1048576x32xf32, #tpu.memory_space<hbm>>) dst(%dma_wait3A_819 : memref<128x32xf32, #tpu.memory_space<vmem>>)
      %dma_wait3A_826 = arith.constant 0 : i32
      %dma_wait3A_827 = arith.constant 1 : i32
      %dma_wait3A_828 = arith.constant 0 : i32
      %dma_wait3A_829 = arith.constant 0 : i32
      %dma_wait3A_830 = tpu.memref_slice %arg6[%dma_wait3A_827, %dma_wait3A_828, %dma_wait3A_829] : memref<2x1664x32xf32, #tpu.memory_space<vmem>> -> memref<1x1664x32xf32, #tpu.memory_space<vmem>>
      %dma_wait3A_831 = tpu.memref_squeeze %dma_wait3A_830 : memref<1x1664x32xf32, #tpu.memory_space<vmem>> -> memref<1664x32xf32, #tpu.memory_space<vmem>>
      %dma_wait3A_832 = arith.constant 1152 : i32
      %dma_wait3A_833 = arith.constant 0 : i32
      %dma_wait3A_834 = tpu.memref_slice %dma_wait3A_831[%dma_wait3A_832, %dma_wait3A_833] : memref<1664x32xf32, #tpu.memory_space<vmem>> -> memref<128x32xf32, #tpu.memory_space<vmem>>
      %dma_wait3A_835 = arith.constant 0 : i32
      %dma_wait3A_836 = tpu.memref_slice %arg5[%dma_wait3A_826, %dma_wait3A_835] : memref<104x128xi32, #tpu.memory_space<vmem>> -> memref<1x128xi32, #tpu.memory_space<vmem>>
      %dma_wait3A_837 = tpu.memref_squeeze %dma_wait3A_836 : memref<1x128xi32, #tpu.memory_space<vmem>> -> memref<128xi32, #tpu.memory_space<vmem>>
      %dma_wait3A_838 = arith.constant 0 : i32
      %dma_wait3A_839 = arith.constant 0 : i32
      %dma_wait3A_840 = tpu.memref_slice %arg3[%dma_wait3A_838, %dma_wait3A_839] : memref<1048576x32xf32, #tpu.memory_space<hbm>> -> memref<1048576x32xf32, #tpu.memory_space<hbm>>
      tpu.wait_indirect_dma semaphore(%arg8 : memref<!tpu.dma_semaphore, #tpu.memory_space<semaphore_mem>>) src(%dma_wait3A_840 : memref<1048576x32xf32, #tpu.memory_space<hbm>>) dst(%dma_wait3A_834 : memref<128x32xf32, #tpu.memory_space<vmem>>)
      %dma_wait3A_841 = arith.constant 0 : i32
      %dma_wait3A_842 = arith.constant 1 : i32
      %dma_wait3A_843 = arith.constant 0 : i32
      %dma_wait3A_844 = arith.constant 0 : i32
      %dma_wait3A_845 = tpu.memref_slice %arg6[%dma_wait3A_842, %dma_wait3A_843, %dma_wait3A_844] : memref<2x1664x32xf32, #tpu.memory_space<vmem>> -> memref<1x1664x32xf32, #tpu.memory_space<vmem>>
      %dma_wait3A_846 = tpu.memref_squeeze %dma_wait3A_845 : memref<1x1664x32xf32, #tpu.memory_space<vmem>> -> memref<1664x32xf32, #tpu.memory_space<vmem>>
      %dma_wait3A_847 = arith.constant 1280 : i32
      %dma_wait3A_848 = arith.constant 0 : i32
      %dma_wait3A_849 = tpu.memref_slice %dma_wait3A_846[%dma_wait3A_847, %dma_wait3A_848] : memref<1664x32xf32, #tpu.memory_space<vmem>> -> memref<128x32xf32, #tpu.memory_space<vmem>>
      %dma_wait3A_850 = arith.constant 0 : i32
      %dma_wait3A_851 = tpu.memref_slice %arg5[%dma_wait3A_841, %dma_wait3A_850] : memref<104x128xi32, #tpu.memory_space<vmem>> -> memref<1x128xi32, #tpu.memory_space<vmem>>
      %dma_wait3A_852 = tpu.memref_squeeze %dma_wait3A_851 : memref<1x128xi32, #tpu.memory_space<vmem>> -> memref<128xi32, #tpu.memory_space<vmem>>
      %dma_wait3A_853 = arith.constant 0 : i32
      %dma_wait3A_854 = arith.constant 0 : i32
      %dma_wait3A_855 = tpu.memref_slice %arg3[%dma_wait3A_853, %dma_wait3A_854] : memref<1048576x32xf32, #tpu.memory_space<hbm>> -> memref<1048576x32xf32, #tpu.memory_space<hbm>>
      tpu.wait_indirect_dma semaphore(%arg8 : memref<!tpu.dma_semaphore, #tpu.memory_space<semaphore_mem>>) src(%dma_wait3A_855 : memref<1048576x32xf32, #tpu.memory_space<hbm>>) dst(%dma_wait3A_849 : memref<128x32xf32, #tpu.memory_space<vmem>>)
      %dma_wait3A_856 = arith.constant 0 : i32
      %dma_wait3A_857 = arith.constant 1 : i32
      %dma_wait3A_858 = arith.constant 0 : i32
      %dma_wait3A_859 = arith.constant 0 : i32
      %dma_wait3A_860 = tpu.memref_slice %arg6[%dma_wait3A_857, %dma_wait3A_858, %dma_wait3A_859] : memref<2x1664x32xf32, #tpu.memory_space<vmem>> -> memref<1x1664x32xf32, #tpu.memory_space<vmem>>
      %dma_wait3A_861 = tpu.memref_squeeze %dma_wait3A_860 : memref<1x1664x32xf32, #tpu.memory_space<vmem>> -> memref<1664x32xf32, #tpu.memory_space<vmem>>
      %dma_wait3A_862 = arith.constant 1408 : i32
      %dma_wait3A_863 = arith.constant 0 : i32
      %dma_wait3A_864 = tpu.memref_slice %dma_wait3A_861[%dma_wait3A_862, %dma_wait3A_863] : memref<1664x32xf32, #tpu.memory_space<vmem>> -> memref<128x32xf32, #tpu.memory_space<vmem>>
      %dma_wait3A_865 = arith.constant 0 : i32
      %dma_wait3A_866 = tpu.memref_slice %arg5[%dma_wait3A_856, %dma_wait3A_865] : memref<104x128xi32, #tpu.memory_space<vmem>> -> memref<1x128xi32, #tpu.memory_space<vmem>>
      %dma_wait3A_867 = tpu.memref_squeeze %dma_wait3A_866 : memref<1x128xi32, #tpu.memory_space<vmem>> -> memref<128xi32, #tpu.memory_space<vmem>>
      %dma_wait3A_868 = arith.constant 0 : i32
      %dma_wait3A_869 = arith.constant 0 : i32
      %dma_wait3A_870 = tpu.memref_slice %arg3[%dma_wait3A_868, %dma_wait3A_869] : memref<1048576x32xf32, #tpu.memory_space<hbm>> -> memref<1048576x32xf32, #tpu.memory_space<hbm>>
      tpu.wait_indirect_dma semaphore(%arg8 : memref<!tpu.dma_semaphore, #tpu.memory_space<semaphore_mem>>) src(%dma_wait3A_870 : memref<1048576x32xf32, #tpu.memory_space<hbm>>) dst(%dma_wait3A_864 : memref<128x32xf32, #tpu.memory_space<vmem>>)
      %dma_wait3A_871 = arith.constant 0 : i32
      %dma_wait3A_872 = arith.constant 1 : i32
      %dma_wait3A_873 = arith.constant 0 : i32
      %dma_wait3A_874 = arith.constant 0 : i32
      %dma_wait3A_875 = tpu.memref_slice %arg6[%dma_wait3A_872, %dma_wait3A_873, %dma_wait3A_874] : memref<2x1664x32xf32, #tpu.memory_space<vmem>> -> memref<1x1664x32xf32, #tpu.memory_space<vmem>>
      %dma_wait3A_876 = tpu.memref_squeeze %dma_wait3A_875 : memref<1x1664x32xf32, #tpu.memory_space<vmem>> -> memref<1664x32xf32, #tpu.memory_space<vmem>>
      %dma_wait3A_877 = arith.constant 1536 : i32
      %dma_wait3A_878 = arith.constant 0 : i32
      %dma_wait3A_879 = tpu.memref_slice %dma_wait3A_876[%dma_wait3A_877, %dma_wait3A_878] : memref<1664x32xf32, #tpu.memory_space<vmem>> -> memref<128x32xf32, #tpu.memory_space<vmem>>
      %dma_wait3A_880 = arith.constant 0 : i32
      %dma_wait3A_881 = tpu.memref_slice %arg5[%dma_wait3A_871, %dma_wait3A_880] : memref<104x128xi32, #tpu.memory_space<vmem>> -> memref<1x128xi32, #tpu.memory_space<vmem>>
      %dma_wait3A_882 = tpu.memref_squeeze %dma_wait3A_881 : memref<1x128xi32, #tpu.memory_space<vmem>> -> memref<128xi32, #tpu.memory_space<vmem>>
      %dma_wait3A_883 = arith.constant 0 : i32
      %dma_wait3A_884 = arith.constant 0 : i32
      %dma_wait3A_885 = tpu.memref_slice %arg3[%dma_wait3A_883, %dma_wait3A_884] : memref<1048576x32xf32, #tpu.memory_space<hbm>> -> memref<1048576x32xf32, #tpu.memory_space<hbm>>
      tpu.wait_indirect_dma semaphore(%arg8 : memref<!tpu.dma_semaphore, #tpu.memory_space<semaphore_mem>>) src(%dma_wait3A_885 : memref<1048576x32xf32, #tpu.memory_space<hbm>>) dst(%dma_wait3A_879 : memref<128x32xf32, #tpu.memory_space<vmem>>)
      %mul3A_886 = arith.constant 1664 : i32
      %mul3A_887 = arith.muli %add3A_673, %mul3A_886 : i32
      %add3A_888 = arith.addi %mul3A_2, %mul3A_887 : i32
      %dma_start3A_889 = arith.constant 1 : i32
      %dma_start3A_890 = arith.constant 0 : i32
      %dma_start3A_891 = arith.constant 0 : i32
      %dma_start3A_892 = tpu.memref_slice %arg6[%dma_start3A_889, %dma_start3A_890, %dma_start3A_891] : memref<2x1664x32xf32, #tpu.memory_space<vmem>> -> memref<1x1664x32xf32, #tpu.memory_space<vmem>>
      %dma_start3A_893 = tpu.memref_squeeze %dma_start3A_892 : memref<1x1664x32xf32, #tpu.memory_space<vmem>> -> memref<1664x32xf32, #tpu.memory_space<vmem>>
      %dma_start3A_894 = arith.constant 0 : i32
      %dma_start3A_895 = tpu.memref_slice %arg4[%add3A_888, %dma_start3A_894] : memref<425984x32xf32, #tpu.memory_space<hbm>> -> memref<1664x32xf32, #tpu.memory_space<hbm>>
      %dma_start3A_896 = arith.constant 0 : i32
      %dma_start3A_897 = tpu.memref_slice %arg4[%add3A_888, %dma_start3A_896] : memref<425984x32xf32, #tpu.memory_space<hbm>> -> memref<1664x32xf32, #tpu.memory_space<hbm>>
      %dma_start3A_898 = arith.constant 0 : i32
      %dma_start3A_899 = arith.constant 0 : i32
      %dma_start3A_900 = tpu.memref_slice %arg6[%dma_start3A_889, %dma_start3A_898, %dma_start3A_899] : memref<2x1664x32xf32, #tpu.memory_space<vmem>> -> memref<1x1664x32xf32, #tpu.memory_space<vmem>>
      %dma_start3A_901 = tpu.memref_squeeze %dma_start3A_900 : memref<1x1664x32xf32, #tpu.memory_space<vmem>> -> memref<1664x32xf32, #tpu.memory_space<vmem>>
      tpu.enqueue_dma source(%dma_start3A_901 : memref<1664x32xf32, #tpu.memory_space<vmem>>) target(%dma_start3A_897 : memref<1664x32xf32, #tpu.memory_space<hbm>>) target_semaphore(%arg10 : memref<!tpu.dma_semaphore, #tpu.memory_space<semaphore_mem>>)
    }
    %scan3A_203 = arith.constant 4 : i32
    %dma_wait3A = arith.constant 1 : i32
    %dma_wait3A_204 = arith.constant 0 : i32
    %dma_wait3A_205 = arith.constant 0 : i32
    %dma_wait3A_206 = tpu.memref_slice %arg6[%dma_wait3A, %dma_wait3A_204, %dma_wait3A_205] : memref<2x1664x32xf32, #tpu.memory_space<vmem>> -> memref<1x1664x32xf32, #tpu.memory_space<vmem>>
    %dma_wait3A_207 = tpu.memref_squeeze %dma_wait3A_206 : memref<1x1664x32xf32, #tpu.memory_space<vmem>> -> memref<1664x32xf32, #tpu.memory_space<vmem>>
    %dma_wait3A_208 = arith.constant 0 : i32
    %dma_wait3A_209 = tpu.memref_slice %arg4[%mul3A_2, %dma_wait3A_208] : memref<425984x32xf32, #tpu.memory_space<hbm>> -> memref<1664x32xf32, #tpu.memory_space<hbm>>
    %dma_wait3A_210 = arith.constant 0 : i32
    %dma_wait3A_211 = tpu.memref_slice %arg4[%mul3A_2, %dma_wait3A_210] : memref<425984x32xf32, #tpu.memory_space<hbm>> -> memref<1664x32xf32, #tpu.memory_space<hbm>>
    %dma_wait3A_212 = arith.constant 0 : i32
    %dma_wait3A_213 = arith.constant 0 : i32
    %dma_wait3A_214 = tpu.memref_slice %arg6[%dma_wait3A, %dma_wait3A_212, %dma_wait3A_213] : memref<2x1664x32xf32, #tpu.memory_space<vmem>> -> memref<1x1664x32xf32, #tpu.memory_space<vmem>>
    %dma_wait3A_215 = tpu.memref_squeeze %dma_wait3A_214 : memref<1x1664x32xf32, #tpu.memory_space<vmem>> -> memref<1664x32xf32, #tpu.memory_space<vmem>>
    tpu.wait_dma2 semaphore(%arg10 : memref<!tpu.dma_semaphore, #tpu.memory_space<semaphore_mem>>) src(%dma_wait3A_215 : memref<1664x32xf32, #tpu.memory_space<vmem>>) dst(%dma_wait3A_211 : memref<1664x32xf32, #tpu.memory_space<hbm>>)
    return
  }
}

module attributes {stable_mosaic.version = 14 : i64} {
  func.func @_tc_linearize_body(%arg0: i32, %arg1: memref<32x65536xf32, #tpu.memory_space<vmem>>, %arg2: memref<16384x128xf32, #tpu.memory_space<vmem>>) attributes {dimension_semantics = [#tpu.dimension_semantics<arbitrary>], iteration_bounds = array<i64: 16>, scalar_prefetch = 0 : i64, scratch_operands = 0 : i64, tpu.core_type = #tpu.core_type<tc>, window_params = [{transform_indices = @transform_0, window_bounds = array<i64: 32, 65536>}, {transform_indices = @transform_1, window_bounds = array<i64: 16384, 128>}]} {
    %get3A = arith.constant 0 : index
    %get3A_0 = arith.constant 0 : index
    %get3A_1 = vector.load %arg1[%get3A, %get3A_0] : memref<32x65536xf32, #tpu.memory_space<vmem>>, vector<32x65536xf32>
    %slice3A = vector.extract_strided_slice %get3A_1 {offsets = [0, 0], sizes = [32, 16384], strides = [1, 1]} : vector<32x65536xf32> to vector<32x16384xf32>
    %slice3A_2 = vector.extract_strided_slice %get3A_1 {offsets = [0, 16384], sizes = [32, 16384], strides = [1, 1]} : vector<32x65536xf32> to vector<32x16384xf32>
    %slice3A_3 = vector.extract_strided_slice %get3A_1 {offsets = [0, 32768], sizes = [32, 16384], strides = [1, 1]} : vector<32x65536xf32> to vector<32x16384xf32>
    %slice3A_4 = vector.extract_strided_slice %get3A_1 {offsets = [0, 49152], sizes = [32, 16384], strides = [1, 1]} : vector<32x65536xf32> to vector<32x16384xf32>
    %concatenate3A = tpu.concatenate %slice3A, %slice3A_2, %slice3A_3, %slice3A_4 in 0 : vector<32x16384xf32>, vector<32x16384xf32>, vector<32x16384xf32>, vector<32x16384xf32> -> vector<128x16384xf32>
    %transpose3A = tpu.transpose %concatenate3A, [1, 0] : vector<128x16384xf32> -> vector<16384x128xf32>
    %swap3A = arith.constant 0 : index
    %swap3A_5 = arith.constant 0 : index
    %swap3A_6 = vector.load %arg2[%swap3A, %swap3A_5] : memref<16384x128xf32, #tpu.memory_space<vmem>>, vector<16384x128xf32>
    tpu.vector_store %arg2[%swap3A, %swap3A_5], %transpose3A {strides = array<i32>} : memref<16384x128xf32, #tpu.memory_space<vmem>>, vector<16384x128xf32>,
    return
  }
  func.func @transform_0(%arg0: i32) -> (i32, i32) {
    %c0_i32 = arith.constant 0 : i32
    %c0_i32_0 = arith.constant 0 : i32
    return %c0_i32, %arg0 : i32, i32
  }
  func.func @transform_1(%arg0: i32) -> (i32, i32) {
    %c0_i32 = arith.constant 0 : i32
    %c0_i32_0 = arith.constant 0 : i32
    return %arg0, %c0_i32 : i32, i32
  }
}

module attributes {stable_mosaic.version = 14 : i64} {
  func.func @_tc_transpose_body(%arg0: i32, %arg1: i32, %arg2: memref<1x4096x128xf32, #tpu.memory_space<vmem>>, %arg3: memref<1x128x4096xf32, #tpu.memory_space<vmem>>) attributes {dimension_semantics = [#tpu.dimension_semantics<arbitrary>, #tpu.dimension_semantics<arbitrary>], iteration_bounds = array<i64: 26, 1>, scalar_prefetch = 0 : i64, scratch_operands = 0 : i64, tpu.core_type = #tpu.core_type<tc>, window_params = [{transform_indices = @transform_0, window_bounds = array<i64: 1, 4096, 128>}, {transform_indices = @transform_1, window_bounds = array<i64: 1, 128, 4096>}]} {
    %get3A = arith.constant 0 : index
    %get3A_0 = arith.constant 0 : index
    %get3A_1 = arith.constant 0 : index
    %get3A_2 = vector.load %arg2[%get3A, %get3A_0, %get3A_1] : memref<1x4096x128xf32, #tpu.memory_space<vmem>>, vector<1x4096x128xf32>
    %get3A_3 = vector.shape_cast %get3A_2 : vector<1x4096x128xf32> to vector<4096x128xf32>
    %transpose3A = tpu.transpose %get3A_3, [1, 0] : vector<4096x128xf32> -> vector<128x4096xf32>
    %slice3A = vector.extract_strided_slice %transpose3A {offsets = [0, 0], sizes = [8, 4096], strides = [1, 1]} : vector<128x4096xf32> to vector<8x4096xf32>
    %swap3A = arith.constant 0 : index
    %swap3A_4 = arith.constant 0 : index
    %swap3A_5 = arith.constant 0 : index
    %swap3A_6 = vector.load %arg3[%swap3A, %swap3A_4, %swap3A_5] : memref<1x128x4096xf32, #tpu.memory_space<vmem>>, vector<1x8x4096xf32>
    %swap3A_7 = vector.shape_cast %swap3A_6 : vector<1x8x4096xf32> to vector<8x4096xf32>
    %swap3A_8 = vector.shape_cast %slice3A : vector<8x4096xf32> to vector<1x8x4096xf32>
    tpu.vector_store %arg3[%swap3A, %swap3A_4, %swap3A_5], %swap3A_8 {strides = array<i32>} : memref<1x128x4096xf32, #tpu.memory_space<vmem>>, vector<1x8x4096xf32>,
    %slice3A_9 = vector.extract_strided_slice %transpose3A {offsets = [32, 0], sizes = [8, 4096], strides = [1, 1]} : vector<128x4096xf32> to vector<8x4096xf32>
    %swap3A_10 = arith.constant 0 : index
    %swap3A_11 = arith.constant 8 : index
    %swap3A_12 = arith.constant 0 : index
    %swap3A_13 = vector.load %arg3[%swap3A_10, %swap3A_11, %swap3A_12] : memref<1x128x4096xf32, #tpu.memory_space<vmem>>, vector<1x8x4096xf32>
    %swap3A_14 = vector.shape_cast %swap3A_13 : vector<1x8x4096xf32> to vector<8x4096xf32>
    %swap3A_15 = vector.shape_cast %slice3A_9 : vector<8x4096xf32> to vector<1x8x4096xf32>
    tpu.vector_store %arg3[%swap3A_10, %swap3A_11, %swap3A_12], %swap3A_15 {strides = array<i32>} : memref<1x128x4096xf32, #tpu.memory_space<vmem>>, vector<1x8x4096xf32>,
    %slice3A_16 = vector.extract_strided_slice %transpose3A {offsets = [64, 0], sizes = [8, 4096], strides = [1, 1]} : vector<128x4096xf32> to vector<8x4096xf32>
    %swap3A_17 = arith.constant 0 : index
    %swap3A_18 = arith.constant 16 : index
    %swap3A_19 = arith.constant 0 : index
    %swap3A_20 = vector.load %arg3[%swap3A_17, %swap3A_18, %swap3A_19] : memref<1x128x4096xf32, #tpu.memory_space<vmem>>, vector<1x8x4096xf32>
    %swap3A_21 = vector.shape_cast %swap3A_20 : vector<1x8x4096xf32> to vector<8x4096xf32>
    %swap3A_22 = vector.shape_cast %slice3A_16 : vector<8x4096xf32> to vector<1x8x4096xf32>
    tpu.vector_store %arg3[%swap3A_17, %swap3A_18, %swap3A_19], %swap3A_22 {strides = array<i32>} : memref<1x128x4096xf32, #tpu.memory_space<vmem>>, vector<1x8x4096xf32>,
    %slice3A_23 = vector.extract_strided_slice %transpose3A {offsets = [96, 0], sizes = [8, 4096], strides = [1, 1]} : vector<128x4096xf32> to vector<8x4096xf32>
    %swap3A_24 = arith.constant 0 : index
    %swap3A_25 = arith.constant 24 : index
    %swap3A_26 = arith.constant 0 : index
    %swap3A_27 = vector.load %arg3[%swap3A_24, %swap3A_25, %swap3A_26] : memref<1x128x4096xf32, #tpu.memory_space<vmem>>, vector<1x8x4096xf32>
    %swap3A_28 = vector.shape_cast %swap3A_27 : vector<1x8x4096xf32> to vector<8x4096xf32>
    %swap3A_29 = vector.shape_cast %slice3A_23 : vector<8x4096xf32> to vector<1x8x4096xf32>
    tpu.vector_store %arg3[%swap3A_24, %swap3A_25, %swap3A_26], %swap3A_29 {strides = array<i32>} : memref<1x128x4096xf32, #tpu.memory_space<vmem>>, vector<1x8x4096xf32>,
    %slice3A_30 = vector.extract_strided_slice %transpose3A {offsets = [8, 0], sizes = [8, 4096], strides = [1, 1]} : vector<128x4096xf32> to vector<8x4096xf32>
    %swap3A_31 = arith.constant 0 : index
    %swap3A_32 = arith.constant 32 : index
    %swap3A_33 = arith.constant 0 : index
    %swap3A_34 = vector.load %arg3[%swap3A_31, %swap3A_32, %swap3A_33] : memref<1x128x4096xf32, #tpu.memory_space<vmem>>, vector<1x8x4096xf32>
    %swap3A_35 = vector.shape_cast %swap3A_34 : vector<1x8x4096xf32> to vector<8x4096xf32>
    %swap3A_36 = vector.shape_cast %slice3A_30 : vector<8x4096xf32> to vector<1x8x4096xf32>
    tpu.vector_store %arg3[%swap3A_31, %swap3A_32, %swap3A_33], %swap3A_36 {strides = array<i32>} : memref<1x128x4096xf32, #tpu.memory_space<vmem>>, vector<1x8x4096xf32>,
    %slice3A_37 = vector.extract_strided_slice %transpose3A {offsets = [40, 0], sizes = [8, 4096], strides = [1, 1]} : vector<128x4096xf32> to vector<8x4096xf32>
    %swap3A_38 = arith.constant 0 : index
    %swap3A_39 = arith.constant 40 : index
    %swap3A_40 = arith.constant 0 : index
    %swap3A_41 = vector.load %arg3[%swap3A_38, %swap3A_39, %swap3A_40] : memref<1x128x4096xf32, #tpu.memory_space<vmem>>, vector<1x8x4096xf32>
    %swap3A_42 = vector.shape_cast %swap3A_41 : vector<1x8x4096xf32> to vector<8x4096xf32>
    %swap3A_43 = vector.shape_cast %slice3A_37 : vector<8x4096xf32> to vector<1x8x4096xf32>
    tpu.vector_store %arg3[%swap3A_38, %swap3A_39, %swap3A_40], %swap3A_43 {strides = array<i32>} : memref<1x128x4096xf32, #tpu.memory_space<vmem>>, vector<1x8x4096xf32>,
    %slice3A_44 = vector.extract_strided_slice %transpose3A {offsets = [72, 0], sizes = [8, 4096], strides = [1, 1]} : vector<128x4096xf32> to vector<8x4096xf32>
    %swap3A_45 = arith.constant 0 : index
    %swap3A_46 = arith.constant 48 : index
    %swap3A_47 = arith.constant 0 : index
    %swap3A_48 = vector.load %arg3[%swap3A_45, %swap3A_46, %swap3A_47] : memref<1x128x4096xf32, #tpu.memory_space<vmem>>, vector<1x8x4096xf32>
    %swap3A_49 = vector.shape_cast %swap3A_48 : vector<1x8x4096xf32> to vector<8x4096xf32>
    %swap3A_50 = vector.shape_cast %slice3A_44 : vector<8x4096xf32> to vector<1x8x4096xf32>
    tpu.vector_store %arg3[%swap3A_45, %swap3A_46, %swap3A_47], %swap3A_50 {strides = array<i32>} : memref<1x128x4096xf32, #tpu.memory_space<vmem>>, vector<1x8x4096xf32>,
    %slice3A_51 = vector.extract_strided_slice %transpose3A {offsets = [104, 0], sizes = [8, 4096], strides = [1, 1]} : vector<128x4096xf32> to vector<8x4096xf32>
    %swap3A_52 = arith.constant 0 : index
    %swap3A_53 = arith.constant 56 : index
    %swap3A_54 = arith.constant 0 : index
    %swap3A_55 = vector.load %arg3[%swap3A_52, %swap3A_53, %swap3A_54] : memref<1x128x4096xf32, #tpu.memory_space<vmem>>, vector<1x8x4096xf32>
    %swap3A_56 = vector.shape_cast %swap3A_55 : vector<1x8x4096xf32> to vector<8x4096xf32>
    %swap3A_57 = vector.shape_cast %slice3A_51 : vector<8x4096xf32> to vector<1x8x4096xf32>
    tpu.vector_store %arg3[%swap3A_52, %swap3A_53, %swap3A_54], %swap3A_57 {strides = array<i32>} : memref<1x128x4096xf32, #tpu.memory_space<vmem>>, vector<1x8x4096xf32>,
    %slice3A_58 = vector.extract_strided_slice %transpose3A {offsets = [16, 0], sizes = [8, 4096], strides = [1, 1]} : vector<128x4096xf32> to vector<8x4096xf32>
    %swap3A_59 = arith.constant 0 : index
    %swap3A_60 = arith.constant 64 : index
    %swap3A_61 = arith.constant 0 : index
    %swap3A_62 = vector.load %arg3[%swap3A_59, %swap3A_60, %swap3A_61] : memref<1x128x4096xf32, #tpu.memory_space<vmem>>, vector<1x8x4096xf32>
    %swap3A_63 = vector.shape_cast %swap3A_62 : vector<1x8x4096xf32> to vector<8x4096xf32>
    %swap3A_64 = vector.shape_cast %slice3A_58 : vector<8x4096xf32> to vector<1x8x4096xf32>
    tpu.vector_store %arg3[%swap3A_59, %swap3A_60, %swap3A_61], %swap3A_64 {strides = array<i32>} : memref<1x128x4096xf32, #tpu.memory_space<vmem>>, vector<1x8x4096xf32>,
    %slice3A_65 = vector.extract_strided_slice %transpose3A {offsets = [48, 0], sizes = [8, 4096], strides = [1, 1]} : vector<128x4096xf32> to vector<8x4096xf32>
    %swap3A_66 = arith.constant 0 : index
    %swap3A_67 = arith.constant 72 : index
    %swap3A_68 = arith.constant 0 : index
    %swap3A_69 = vector.load %arg3[%swap3A_66, %swap3A_67, %swap3A_68] : memref<1x128x4096xf32, #tpu.memory_space<vmem>>, vector<1x8x4096xf32>
    %swap3A_70 = vector.shape_cast %swap3A_69 : vector<1x8x4096xf32> to vector<8x4096xf32>
    %swap3A_71 = vector.shape_cast %slice3A_65 : vector<8x4096xf32> to vector<1x8x4096xf32>
    tpu.vector_store %arg3[%swap3A_66, %swap3A_67, %swap3A_68], %swap3A_71 {strides = array<i32>} : memref<1x128x4096xf32, #tpu.memory_space<vmem>>, vector<1x8x4096xf32>,
    %slice3A_72 = vector.extract_strided_slice %transpose3A {offsets = [80, 0], sizes = [8, 4096], strides = [1, 1]} : vector<128x4096xf32> to vector<8x4096xf32>
    %swap3A_73 = arith.constant 0 : index
    %swap3A_74 = arith.constant 80 : index
    %swap3A_75 = arith.constant 0 : index
    %swap3A_76 = vector.load %arg3[%swap3A_73, %swap3A_74, %swap3A_75] : memref<1x128x4096xf32, #tpu.memory_space<vmem>>, vector<1x8x4096xf32>
    %swap3A_77 = vector.shape_cast %swap3A_76 : vector<1x8x4096xf32> to vector<8x4096xf32>
    %swap3A_78 = vector.shape_cast %slice3A_72 : vector<8x4096xf32> to vector<1x8x4096xf32>
    tpu.vector_store %arg3[%swap3A_73, %swap3A_74, %swap3A_75], %swap3A_78 {strides = array<i32>} : memref<1x128x4096xf32, #tpu.memory_space<vmem>>, vector<1x8x4096xf32>,
    %slice3A_79 = vector.extract_strided_slice %transpose3A {offsets = [112, 0], sizes = [8, 4096], strides = [1, 1]} : vector<128x4096xf32> to vector<8x4096xf32>
    %swap3A_80 = arith.constant 0 : index
    %swap3A_81 = arith.constant 88 : index
    %swap3A_82 = arith.constant 0 : index
    %swap3A_83 = vector.load %arg3[%swap3A_80, %swap3A_81, %swap3A_82] : memref<1x128x4096xf32, #tpu.memory_space<vmem>>, vector<1x8x4096xf32>
    %swap3A_84 = vector.shape_cast %swap3A_83 : vector<1x8x4096xf32> to vector<8x4096xf32>
    %swap3A_85 = vector.shape_cast %slice3A_79 : vector<8x4096xf32> to vector<1x8x4096xf32>
    tpu.vector_store %arg3[%swap3A_80, %swap3A_81, %swap3A_82], %swap3A_85 {strides = array<i32>} : memref<1x128x4096xf32, #tpu.memory_space<vmem>>, vector<1x8x4096xf32>,
    %slice3A_86 = vector.extract_strided_slice %transpose3A {offsets = [24, 0], sizes = [8, 4096], strides = [1, 1]} : vector<128x4096xf32> to vector<8x4096xf32>
    %swap3A_87 = arith.constant 0 : index
    %swap3A_88 = arith.constant 96 : index
    %swap3A_89 = arith.constant 0 : index
    %swap3A_90 = vector.load %arg3[%swap3A_87, %swap3A_88, %swap3A_89] : memref<1x128x4096xf32, #tpu.memory_space<vmem>>, vector<1x8x4096xf32>
    %swap3A_91 = vector.shape_cast %swap3A_90 : vector<1x8x4096xf32> to vector<8x4096xf32>
    %swap3A_92 = vector.shape_cast %slice3A_86 : vector<8x4096xf32> to vector<1x8x4096xf32>
    tpu.vector_store %arg3[%swap3A_87, %swap3A_88, %swap3A_89], %swap3A_92 {strides = array<i32>} : memref<1x128x4096xf32, #tpu.memory_space<vmem>>, vector<1x8x4096xf32>,
    %slice3A_93 = vector.extract_strided_slice %transpose3A {offsets = [56, 0], sizes = [8, 4096], strides = [1, 1]} : vector<128x4096xf32> to vector<8x4096xf32>
    %swap3A_94 = arith.constant 0 : index
    %swap3A_95 = arith.constant 104 : index
    %swap3A_96 = arith.constant 0 : index
    %swap3A_97 = vector.load %arg3[%swap3A_94, %swap3A_95, %swap3A_96] : memref<1x128x4096xf32, #tpu.memory_space<vmem>>, vector<1x8x4096xf32>
    %swap3A_98 = vector.shape_cast %swap3A_97 : vector<1x8x4096xf32> to vector<8x4096xf32>
    %swap3A_99 = vector.shape_cast %slice3A_93 : vector<8x4096xf32> to vector<1x8x4096xf32>
    tpu.vector_store %arg3[%swap3A_94, %swap3A_95, %swap3A_96], %swap3A_99 {strides = array<i32>} : memref<1x128x4096xf32, #tpu.memory_space<vmem>>, vector<1x8x4096xf32>,
    %slice3A_100 = vector.extract_strided_slice %transpose3A {offsets = [88, 0], sizes = [8, 4096], strides = [1, 1]} : vector<128x4096xf32> to vector<8x4096xf32>
    %swap3A_101 = arith.constant 0 : index
    %swap3A_102 = arith.constant 112 : index
    %swap3A_103 = arith.constant 0 : index
    %swap3A_104 = vector.load %arg3[%swap3A_101, %swap3A_102, %swap3A_103] : memref<1x128x4096xf32, #tpu.memory_space<vmem>>, vector<1x8x4096xf32>
    %swap3A_105 = vector.shape_cast %swap3A_104 : vector<1x8x4096xf32> to vector<8x4096xf32>
    %swap3A_106 = vector.shape_cast %slice3A_100 : vector<8x4096xf32> to vector<1x8x4096xf32>
    tpu.vector_store %arg3[%swap3A_101, %swap3A_102, %swap3A_103], %swap3A_106 {strides = array<i32>} : memref<1x128x4096xf32, #tpu.memory_space<vmem>>, vector<1x8x4096xf32>,
    %slice3A_107 = vector.extract_strided_slice %transpose3A {offsets = [120, 0], sizes = [8, 4096], strides = [1, 1]} : vector<128x4096xf32> to vector<8x4096xf32>
    %swap3A_108 = arith.constant 0 : index
    %swap3A_109 = arith.constant 120 : index
    %swap3A_110 = arith.constant 0 : index
    %swap3A_111 = vector.load %arg3[%swap3A_108, %swap3A_109, %swap3A_110] : memref<1x128x4096xf32, #tpu.memory_space<vmem>>, vector<1x8x4096xf32>
    %swap3A_112 = vector.shape_cast %swap3A_111 : vector<1x8x4096xf32> to vector<8x4096xf32>
    %swap3A_113 = vector.shape_cast %slice3A_107 : vector<8x4096xf32> to vector<1x8x4096xf32>
    tpu.vector_store %arg3[%swap3A_108, %swap3A_109, %swap3A_110], %swap3A_113 {strides = array<i32>} : memref<1x128x4096xf32, #tpu.memory_space<vmem>>, vector<1x8x4096xf32>,
    return
  }
  func.func @transform_0(%arg0: i32, %arg1: i32) -> (i32, i32, i32) {
    %c0_i32 = arith.constant 0 : i32
    %c0_i32_0 = arith.constant 0 : i32
    return %arg0, %arg1, %c0_i32 : i32, i32, i32
  }
  func.func @transform_1(%arg0: i32, %arg1: i32) -> (i32, i32, i32) {
    %c0_i32 = arith.constant 0 : i32
    %c0_i32_0 = arith.constant 0 : i32
    return %arg0, %c0_i32, %arg1 : i32, i32, i32
  }
}

</mosaic_0001>

<sc_bundles>
// kernel: kernel.5.cloned.1.call-start
scs
__scs_entry_jumppad:
0x0: {  	(pc) =	sbr.rel $0x88, $3  }
0x1: {  	(tag) =	ssettag $0x0;
	lr =	simm.s32 $0x1  }
0x2: {  	[smem:$0x3F9F] =	sst lr;
	_ =	strace $0xD0000000  }
0x3: {  	_ = 	snop  }
0x4: {  	_ = 	snop  }
0x5: {  	_ = 	snop  }
0x6: {  	_ = 	snop  }
0x7: {  	_ = 	snop  }
__scs_overlays_trampoline_lowered:
0x8: {  	[smem:$0x3FAE] =	sst s0  }
0x9: {  	[smem:$0x3FAF] =	sst s1  }
0xa: {  	[smem:$0x3FB0] =	sst s2  }
0xb: {  	[smem:$0x3FB1] =	sst s3  }
0xc: {  	[smem:$0x3FB2] =	sst s4  }
0xd: {  	[smem:$0x3FB3] =	sst s5  }
0xe: {  	[smem:$0x3FB4] =	sst s6  }
0xf: {  	[smem:$0x3FB5] =	sst s7  }
0x10: {  	[smem:$0x3FB6] =	sst s8  }
0x11: {  	[smem:$0x3FB7] =	sst s9;
	s0 =	simm.s32 @!p0 $0x0  }
0x12: {  	s1 =	sld [smem:$0x3F9D];
	s0 =	simm.s32 @p0 $0x1  }
0x13: {  	[smem:$0x3FB8] =	sst s0;
	s0 =	simm.s32 @!p1 $0x0  }
0x14: {  	s2 =	sld [smem:$0x3F9C];
	s0 =	simm.s32 @p1 $0x1  }
0x15: {  	[smem:$0x3FB9] =	sst s0;
	s0 =	simm.s32 @!p2 $0x0  }
0x16: {  	s3 =	sld [smem:$0x3FDB];
	s0 =	simm.s32 @p2 $0x1  }
0x17: {  	s4 =	simm.s32 $0x1BF5;
	[smem:$0x3FBB] =	sst s0  }
0x18: {  	s0 =	sld [smem:$0x3F9E];
	_ =	swait.ge [sflag:s4], $0x0  }
0x19: {  	s7 =	sld [smem:$0x3F9F]  }
0x1a: {  	s8 =	sadd.s32 $0xFFFFE003, lr  }
0x1b: {  	s9 =	sadd.s32 $0xFFFFFEF7, lr;
	s5 =	simm.s32 $0xFFFFFFFF;
	p2 =	slt.u32 s8, $0xFFFFF086  }
0x1c: {  	p1 =	slt.u32 s9, $0xF7A;
	s5 =	simm.s32 @!p2 $0x0  }
0x1d: {  	s5 =	simm.s32 @p1 $0x1;
	p0 =	seq.s32 s7, s2  }
0x1e: {  	s7 =	smul.u32 @!p0 $0xF7A, s2;
	p2 =	seq.s32 @!p0 s5, $0x0  }
0x1f: {  	s9 =	smul.u32 $0xF7A, s1;
	s8 =	simm.s32 @!p0 $0x1BF5;
	p2 =	por !p2, p0  }
0x20: {  	[sflag:s8] =	ssyncset.s32 @!p0 $0xFFFFF086;
	s6 =	sadd.s32 @!p0 s3, s7;
	s7 =	simm.s32 @!p0 $0x108  }
0x21: {  	s3 =	sadd.s32 s3, s9;
	s6 =	sadd.s32 @!p0 $0x88, s6;
	s7 =	simm.s32 @p2 $0x1082  }
0x22: {  	[simem:s7], [sflag:s8] =	dma.local @!p0 [hbm:s6], $0xF7A  }
0x23: {  	s9 =	sor.u32 $0xD0000000, s2;
	s6 =	simm.s32 $0x108;
	_ =	swait.ge @!p0 [sflag:s8], $0x0  }
0x24: {  	s3 =	sadd.s32 $0x88, s3;
	s6 =	simm.s32 @!p1 $0x1082;
	[sflag:s4] =	ssyncset.s32 $0xFFFFF086  }
0x25: {  	[simem:s6], [sflag:s4] =	dma.local [hbm:s3], $0xF7A  }
0x26: {  	[smem:$0x3F9F] =	sst s1;
	(tag) =	ssettag s2;
	_ =	strace s9  }
0x27: {  	s1 =	sld [smem:$0x3FAF]  }
0x28: {  	s2 =	sld [smem:$0x3FB0]  }
0x29: {  	s4 =	sld [smem:$0x3FB2]  }
0x2a: {  	p0 =	seq.s32 s5, $0x0;
	s5 =	sld [smem:$0x3FB3]  }
0x2b: {  	s6 =	sld [smem:$0x3FB4]  }
0x2c: {  	s7 =	sld [smem:$0x3FB5]  }
0x2d: {  	s3 =	simm.s32 $0x108;
	s8 =	sld [smem:$0x3FB6]  }
0x2e: {  	s3 =	simm.s32 @!p0 $0x1082;
	s9 =	sld [smem:$0x3FB7]  }
0x2f: {  	lr =	sadd.s32 s0, s3;
	s0 =	sld [smem:$0x3FAE]  }
0x30: {  	s3 =	sld [smem:$0x3FB1]  }
0x31: {  	[smem:$0x3FBA] =	sst s10  }
0x32: {  	s10 =	sld [smem:$0x3FB8];
	_ =	sdelay $0x3  }
0x33: {  	p0 =	seq.s32 s10, $0x1;
	s10 =	sld [smem:$0x3FBA];
	_ =	sdelay $0x3  }
0x34: {  	[smem:$0x3FBA] =	sst s10  }
0x35: {  	s10 =	sld [smem:$0x3FB9];
	_ =	sdelay $0x3  }
0x36: {  	p1 =	seq.s32 s10, $0x1;
	s10 =	sld [smem:$0x3FBA];
	_ =	sdelay $0x3  }
0x37: {  	[smem:$0x3FBA] =	sst s10  }
0x38: {  	s10 =	sld [smem:$0x3FBB]  }
0x39: {  	_ = 	snop;
	(pc) =	sbr.ind lr, $3  }
0x3a: {  	_ = 	snop  }
0x3b: {  	_ = 	snop  }
0x3c: {  	p2 =	seq.s32 s10, $0x1;
	s10 =	sld [smem:$0x3FBA]  }
0x3d: {  	_ =	shalt  }
0x3e: {  	_ =	shalt  }
0x3f: {  	_ =	shalt  }
0x40: {  	_ =	shalt  }
0x41: {  	_ =	shalt  }
0x42: {  	_ =	shalt  }
0x43: {  	_ =	shalt  }
0x44: {  	_ =	shalt  }
0x45: {  	_ =	shalt  }
0x46: {  	_ =	shalt  }
0x47: {  	_ =	shalt  }
0x48: {  	_ =	shalt  }
0x49: {  	_ =	shalt  }
0x4a: {  	_ =	shalt  }
0x4b: {  	_ =	shalt  }
0x4c: {  	_ =	shalt  }
0x4d: {  	_ =	shalt  }
0x4e: {  	_ =	shalt  }
0x4f: {  	_ =	shalt  }
0x50: {  	_ =	shalt  }
0x51: {  	_ =	shalt  }
0x52: {  	_ =	shalt  }
0x53: {  	_ =	shalt  }
0x54: {  	_ =	shalt  }
0x55: {  	_ =	shalt  }
0x56: {  	_ =	shalt  }
0x57: {  	_ =	shalt  }
0x58: {  	_ =	shalt  }
0x59: {  	_ =	shalt  }
0x5a: {  	_ =	shalt  }
0x5b: {  	_ =	shalt  }
0x5c: {  	_ =	shalt  }
0x5d: {  	_ =	shalt  }
0x5e: {  	_ =	shalt  }
0x5f: {  	_ =	shalt  }
0x60: {  	_ =	shalt  }
0x61: {  	_ =	shalt  }
0x62: {  	_ =	shalt  }
0x63: {  	_ =	shalt  }
0x64: {  	_ =	shalt  }
0x65: {  	_ =	shalt  }
0x66: {  	_ =	shalt  }
0x67: {  	_ =	shalt  }
0x68: {  	_ =	shalt  }
0x69: {  	_ =	shalt  }
0x6a: {  	_ =	shalt  }
0x6b: {  	_ =	shalt  }
0x6c: {  	_ =	shalt  }
0x6d: {  	_ =	shalt  }
0x6e: {  	_ =	shalt  }
0x6f: {  	_ =	shalt  }
0x70: {  	_ =	shalt  }
0x71: {  	_ =	shalt  }
0x72: {  	_ =	shalt  }
0x73: {  	_ =	shalt  }
0x74: {  	_ =	shalt  }
0x75: {  	_ =	shalt  }
0x76: {  	_ =	shalt  }
0x77: {  	_ =	shalt  }
0x78: {  	_ =	shalt  }
0x79: {  	_ =	shalt  }
0x7a: {  	_ =	shalt  }
0x7b: {  	_ =	shalt  }
0x7c: {  	_ =	shalt  }
0x7d: {  	_ =	shalt  }
0x7e: {  	_ =	shalt  }
0x7f: {  	_ =	shalt  }
0x80: {  	_ =	shalt  }
0x81: {  	_ =	shalt  }
0x82: {  	_ =	shalt  }
0x83: {  	_ =	shalt  }
0x84: {  	_ =	shalt  }
0x85: {  	_ =	shalt  }
0x86: {  	_ =	shalt  }
0x87: {  	_ =	shalt  }
.Lfunc_end0:
.L_simem_size_0:
called_computation_lowered:
.L_overlay_start_0:
0x88: {  	s2 =	sld [smem:$0x3FD9]  }
0x89: {  	s3 =	sld [smem:$0x3FFE];
	_ =	sdelay $0x1  }
0x8a: {  	s1 =	srdreg.scid  }
0x8b: {  	s0 =	sand.u32 $0x1, s1  }
0x8c: {  	s16 =	sshll.u32 s0, $0xA;
	s2 =	sadd.s32 s3, s2  }
0x8d: {  	s2 =	sadd.s32 s2, s16  }
0x8e: {  	[smem:$0x3FC6] =	sst s2  }
0x8f: {  	_ = 	snop  }
0x90: {  	(tm) =	ssettm $0x1  }
0x91: {  	s17 =	sld [smem:$0x3FFB];
	_ =	sdelay $0x3  }
0x92: {  	_ =	strace s17  }
0x93: {  	s2 =	sld [smem:$0x3FFC];
	_ =	sdelay $0x3  }
0x94: {  	_ =	strace s2  }
0x95: {  	s2 =	sld [smem:$0x3FFD];
	_ =	sdelay $0x3  }
0x96: {  	_ =	strace s2  }
0x97: {  	_ =	strace $0x8FFFFFFF  }
0x98: {  	s18 =	sld [smem:$0x3FDB];
	_ =	sdelay $0x1  }
0x99: {  	s19 =	simm.s32 $_scs_section_size  }
0x9a: {  	s4 =	simm.s32 $_size__tile_overlayer_lowered;
	s5 =	simm.s32 $_tile_overlayer_lowered  }
0x9b: {  	s22 =	simm.s32 $0x1BFF;
	s21 =	sshll.u32 s5, $0x1;
	s2 =	sadd.s32 s19, s18  }
0x9c: {  	s6 =	simm.s32 $0x0;
	s20 =	sshll.u32 s4, $0x1;
	s4 =	sadd.s32 s21, s2  }
0x9d: {  	[timem:s6], [sflag:s22] =	dma.local [hbm:s4], s20  }
0x9e: {  	_ =	swait.ge [sflag:s22], s20  }
0x9f: {  	s3 =	ssub.s32 $0x0, s20;
	[sflag:s22] =	ssyncset.done $0x0  }
0xa0: {  	[sflag:s22] =	ssyncadd.s32 s3;
	_ =	sdelay $0x1  }
0xa1: {  	s23 =	simm.s32 $0x1B8B  }
0xa2: {  	_ =	swait.ge [sflag:s23], $0x1  }
0xa3: {  	[sflag:s23] =	ssyncset.done $0x0  }
0xa4: {  	s25 =	simm.s32 $0x1B8E;
	s24 =	sld [smem:$0x3FFE];
	[sflag:s23] =	ssyncadd.s32 $0xFFFFFFFF  }
0xa5: {  	s26 =	simm.s32 $execute0_lowered;
	[smem:$0x3FD2] =	sst s25  }
0xa6: {  	s4 =	sshll.u32 s26, $0x1;
	_ =	strace $0x80000046;
	[dreg:$0x1] =	wrdreg $0xFFFFFFFF  }
0xa7: {  	s28 =	simm.s32 $_size_execute0_lowered;
	s2 =	sadd.s32 s2, s4;
	[dreg:$0x0] =	wrdreg $0x0  }
0xa8: {  	s4 =	sshll.u32 s28, $0x1;
	[dreg:$0x2] =	wrdreg s2  }
0xa9: {  	[dreg:$0x3] =	wrdreg s4  }
0xaa: {  	[dreg:$0x4] =	wrdreg $0xC0  }
0xab: {  	_ =	task [dreg:s6], $0x5FFFF  }
0xac: {  	[dreg:$0x1] =	wrdreg $0xFFFFFFFF  }
0xad: {  	[dreg:$0x0] =	wrdreg $0x60  }
0xae: {  	[dreg:$0x2] =	wrdreg s24  }
0xaf: {  	[dreg:$0x3] =	wrdreg $0x9  }
0xb0: {  	_ =	task.clear_ibuf [dreg:s6], $0x4FFFF;
	_ =	strace $0x90000046  }
0xb1: {  	s29 =	simm.s32 $0x9;
	_ =	strace $0x80000048  }
0xb2: {  	_ =	swait.ge [sflag:s29], $0x1  }
0xb3: {  	[sflag:s29] =	ssyncadd.s32 $0xFFFFFFFF  }
0xb4: {  	_ =	strace $0x90000048  }
0xb5: {  	_ =	sfence  }
0xb6: {  	s30 =	sld [smem:$0x0];
	_ =	sdelay $0x2  }
0xb7: {  	s31 =	sshll.u32 s1, $0xD;
	s1 =	sshrl.u32 s1, $0x2  }
0xb8: {  	s3 =	sand.u32 $0x4000, s31;
	s1 =	sadd.s32 s1, s30  }
0xb9: {  	s0 =	sor.u32 s3, s0;
	s1 =	sshll.u32 s1, $0x11  }
0xba: {  	s0 =	sor.u32 s1, s0  }
0xbb: {  	s0 =	sadd.s32 $0x8F2B, s0  }
0xbc: {  	[sflag:s0] =	ssyncadd.remote.s32 $0x1  }
0xbd: {  	_ =	sfence.sel $0xFFFF  }
0xbe: {  	[dreg:$0x0] =	wrdreg $0xFFFFFFFF;
	(pc) =	sbr.abs _section_cstart, $3  }
0xbf: {  	[dreg:$0x1] =	wrdreg $0xFFFFFFFF  }
0xc0: {  	_ =	task.clear_ibuf [dreg:s6], $0x2FFFF;
	_ =	strace $0x9FFFFFFF  }
0xc1: {  	(tm) =	ssettm $0x7FFFFFFF  }
tec
execute0_lowered:
.L_overlay_start_1:
0x0: {  	(tag) =	ssettag $0x1  }
0x1: {  	s0 =	srdreg.scid  }
0x2: {  	s8 =	stileid.u32;
	s1 =	rddreg [dreg:$0x0]  }
0x3: {  	s2 =	simm.s32 $0x0;
	s15 =	simm.s32 $0x11400;
	s16 =	simm.s32 $0x12400  }
0x4: {  	s17 =	simm.s32 $0x13400;
	s18 =	simm.s32 $0x14400;
	[smem:$0x7FF] =	sst s2  }
0x5: {  	s19 =	simm.s32 $0x15400;
	_ =	strace $0x80000047;
	[dreg:$0x4] =	wrdreg s15  }
0x6: {  	s20 =	simm.s32 $0x16400;
	s21 =	simm.s32 $0x17400;
	[dreg:$0x5] =	wrdreg s16  }
0x7: {  	s22 =	simm.s32 $0x18400;
	s23 =	simm.s32 $0x19400;
	[dreg:$0x6] =	wrdreg s17  }
0x8: {  	s24 =	simm.s32 $0x1A400;
	s25 =	simm.s32 $0x1B400;
	[dreg:$0x7] =	wrdreg s18  }
0x9: {  	s26 =	simm.s32 $0x1C400;
	s28 =	simm.s32 $0xD400;
	[dreg:$0x8] =	wrdreg s19  }
0xa: {  	s29 =	simm.s32 $0x580;
	s30 =	simm.s32 $0xE400;
	[dreg:$0x9] =	wrdreg s20  }
0xb: {  	s31 =	simm.s32 $0x600;
	s10 =	simm.s32 $0x3;
	[dreg:$0xa] =	wrdreg s21  }
0xc: {  	s0 =	sand.u32 $0x1, s0;
	s4 =	smul.u32 $0x6800, s8;
	[dreg:$0xb] =	wrdreg s22  }
0xd: {  	s3 =	sshll.u32 s8, $0x1;
	s8 =	smul.u32 $0x1A000, s8;
	[dreg:$0xc] =	wrdreg s23  }
0xe: {  	s3 =	sor.u32 s0, s3;
	s6 =	smul.u32 $0x3400, s0;
	[dreg:$0xd] =	wrdreg s24  }
0xf: {  	s7 =	ssub.s32 $0x2, s0;
	s0 =	smul.u32 $0xD000, s0;
	[dreg:$0xe] =	wrdreg s25  }
0x10: {  	[dreg:$0xf] =	wrdreg s26;
	s26 =	simm.s32 $0x500;
	s9 =	sshrl.u32 s7, $0x1  }
0x11: {  	s3 =	smul.u32 $0x680, s3;
	s4 =	sadd.s32 s6, s4;
	s11 =	ssub.s32 s7, s9  }
0x12: {  	s6 =	simm.s32 $0x5;
	s7 =	simm.s32 $0x80;
	s9 =	simm.s32 $0x1  }
0x13: {  	s5 =	sadd.s32 s3, s1;
	s3 =	sadd.s32 $0xD400, s1;
	s1 =	sadd.s32 $0x40D400, s1  }
0x14: {  	s13 =	sshll.u32 s4, $0x2;
	s12 =	sadd.s32 s8, s1;
	s4 =	sadd.s32 $0x400, s5  }
0x15: {  	s1 =	sadd.s32 s1, s13;
	s5 =	smax.u32 s11, $0x1;
	s8 =	simm.s32 $0x3400  }
0x16: {  	s11 =	simm.s32 $0x2;
	s13 =	simm.s32 $0x0;
	s0 =	sadd.s32 s0, s12  }
0x17: {  	s14 =	sadd.s32 $0x1A00, s1;
	s1 =	simm.s32 $0xF400;
	[dreg:$0x2] =	wrdreg s0  }
0x18: {  	s12 =	simm.s32 $0x4;
	[dreg:$0x3] =	wrdreg s14;
	s0 =	simm.s32 $0x10400  }
.LBB2_1:
0x19: {  	[tilespmem:s2], [sflag:$0x5] =	stream.linear.gather [hbm4b:s4+s2], $0x3400, $0x38;
	[tilespmem:$0x1D400] =	vst v63  }
0x1a: {  	_ =	swait.ge [sflag:s6], $0x3400  }
0x1b: {  	[sflag:s6] =	ssyncset.done $0x0  }
0x1c: {  	[sflag:s6] =	ssyncadd.s32 $0xFFFFCC00  }
0x1d: {  	[tilespmem:s8], [sflag:$0x1] =	stream.indirect.gather [hbm4b:s3+s7], $0x20, s2, s7, $0xb8;
	[tilespmem:$0x1D400] =	vst v63  }
0x1e: {  	s14 =	simm.s32 $0x4400  }
0x1f: {  	[tilespmem:s14], [sflag:$0x1] =	stream.indirect.gather [hbm4b:s3+s7], $0x20, s7, s7, $0xb8;
	[tilespmem:$0x1D400] =	vst v63  }
0x20: {  	s17 =	simm.s32 $0x100;
	s15 =	simm.s32 $0x5400  }
0x21: {  	[tilespmem:s15], [sflag:$0x1] =	stream.indirect.gather [hbm4b:s3+s7], $0x20, s17, s7, $0xb8;
	[tilespmem:$0x1D400] =	vst v63  }
0x22: {  	s18 =	simm.s32 $0x180;
	s19 =	simm.s32 $0x6400  }
0x23: {  	[tilespmem:s19], [sflag:$0x1] =	stream.indirect.gather [hbm4b:s3+s7], $0x20, s18, s7, $0xb8;
	[tilespmem:$0x1D400] =	vst v63  }
0x24: {  	s20 =	simm.s32 $0x200;
	s21 =	simm.s32 $0x7400  }
0x25: {  	[tilespmem:s21], [sflag:$0x1] =	stream.indirect.gather [hbm4b:s3+s7], $0x20, s20, s7, $0xb8;
	[tilespmem:$0x1D400] =	vst v63  }
0x26: {  	s22 =	simm.s32 $0x280;
	s23 =	simm.s32 $0x8400  }
0x27: {  	[tilespmem:s23], [sflag:$0x1] =	stream.indirect.gather [hbm4b:s3+s7], $0x20, s22, s7, $0xb8;
	[tilespmem:$0x1D400] =	vst v63  }
0x28: {  	s24 =	simm.s32 $0x300;
	s25 =	simm.s32 $0x9400  }
0x29: {  	[tilespmem:s25], [sflag:$0x1] =	stream.indirect.gather [hbm4b:s3+s7], $0x20, s24, s7, $0xb8;
	[tilespmem:$0x1D400] =	vst v63  }
0x2a: {  	s16 =	simm.s32 $0xA400;
	s15 =	simm.s32 $0x380  }
0x2b: {  	[tilespmem:s16], [sflag:$0x1] =	stream.indirect.gather [hbm4b:s3+s7], $0x20, s15, s7, $0xb8;
	[tilespmem:$0x1D400] =	vst v63  }
0x2c: {  	s17 =	simm.s32 $0x400;
	s18 =	simm.s32 $0xB400  }
0x2d: {  	[tilespmem:s18], [sflag:$0x1] =	stream.indirect.gather [hbm4b:s3+s7], $0x20, s17, s7, $0xb8;
	[tilespmem:$0x1D400] =	vst v63  }
0x2e: {  	s19 =	simm.s32 $0x480;
	s20 =	simm.s32 $0xC400  }
0x2f: {  	[tilespmem:s20], [sflag:$0x1] =	stream.indirect.gather [hbm4b:s3+s7], $0x20, s19, s7, $0xb8;
	[tilespmem:$0x1D400] =	vst v63  }
0x30: {  	_ = 	snop  }
0x31: {  	[tilespmem:s28], [sflag:$0x1] =	stream.indirect.gather [hbm4b:s3+s7], $0x20, s26, s7, $0xb8;
	[tilespmem:$0x1D400] =	vst v63  }
0x32: {  	p0 =	por $0x1, $0x1  }
0x33: {  	[tilespmem:s30], [sflag:$0x1] =	stream.indirect.gather [hbm4b:s3+s7], $0x20, s29, s7, $0xb8;
	[tilespmem:$0x1D400] =	vst v63  }
0x34: {  	s14 =	simm.s32 @!p0 $0x4  }
0x35: {  	[tilespmem:s1], [sflag:$0x1] =	stream.indirect.gather [hbm4b:s3+s7], $0x20, s31, s7, $0xb8;
	[tilespmem:$0x1D400] =	vst v63  }
0x36: {  	_ =	swait.ge @!p0 [sflag:s14], $0xD000  }
0x37: {  	[sflag:s14] =	ssyncset.done @!p0 $0x0  }
0x38: {  	s21 =	simm.s32 $0x680;
	[sflag:s14] =	ssyncadd.s32 @!p0 $0xFFFF3000  }
0x39: {  	[tilespmem:s0], [sflag:$0x2] =	stream.indirect.gather [hbm4b:s3+s7], $0x20, s21, s7, $0xb8;
	[tilespmem:$0x1D400] =	vst v63  }
0x3a: {  	s23 =	simm.s32 $0x700;
	s22 =	rddreg [dreg:$0x4]  }
0x3b: {  	[tilespmem:s22], [sflag:$0x2] =	stream.indirect.gather [hbm4b:s3+s7], $0x20, s23, s7, $0xb8;
	[tilespmem:$0x1D400] =	vst v63  }
0x3c: {  	s24 =	simm.s32 $0x780;
	s16 =	rddreg [dreg:$0x5]  }
0x3d: {  	[tilespmem:s16], [sflag:$0x2] =	stream.indirect.gather [hbm4b:s3+s7], $0x20, s24, s7, $0xb8;
	[tilespmem:$0x1D400] =	vst v63  }
0x3e: {  	s25 =	rddreg [dreg:$0x6];
	s16 =	simm.s32 $0x800  }
0x3f: {  	[tilespmem:s25], [sflag:$0x2] =	stream.indirect.gather [hbm4b:s3+s7], $0x20, s16, s7, $0xb8;
	[tilespmem:$0x1D400] =	vst v63  }
0x40: {  	s18 =	simm.s32 $0x880;
	s17 =	rddreg [dreg:$0x7]  }
0x41: {  	[tilespmem:s17], [sflag:$0x2] =	stream.indirect.gather [hbm4b:s3+s7], $0x20, s18, s7, $0xb8;
	[tilespmem:$0x1D400] =	vst v63  }
0x42: {  	s20 =	simm.s32 $0x900;
	s19 =	rddreg [dreg:$0x8]  }
0x43: {  	[tilespmem:s19], [sflag:$0x2] =	stream.indirect.gather [hbm4b:s3+s7], $0x20, s20, s7, $0xb8;
	[tilespmem:$0x1D400] =	vst v63  }
0x44: {  	s21 =	rddreg [dreg:$0x9];
	s22 =	simm.s32 $0x980  }
0x45: {  	[tilespmem:s21], [sflag:$0x2] =	stream.indirect.gather [hbm4b:s3+s7], $0x20, s22, s7, $0xb8;
	[tilespmem:$0x1D400] =	vst v63  }
0x46: {  	s23 =	rddreg [dreg:$0xa];
	s24 =	simm.s32 $0xA00  }
0x47: {  	[tilespmem:s23], [sflag:$0x2] =	stream.indirect.gather [hbm4b:s3+s7], $0x20, s24, s7, $0xb8;
	[tilespmem:$0x1D400] =	vst v63  }
0x48: {  	s15 =	simm.s32 $0xA80;
	s25 =	rddreg [dreg:$0xb]  }
0x49: {  	[tilespmem:s25], [sflag:$0x2] =	stream.indirect.gather [hbm4b:s3+s7], $0x20, s15, s7, $0xb8;
	[tilespmem:$0x1D400] =	vst v63  }
0x4a: {  	s17 =	rddreg [dreg:$0xc];
	s18 =	simm.s32 $0xB00  }
0x4b: {  	[tilespmem:s17], [sflag:$0x2] =	stream.indirect.gather [hbm4b:s3+s7], $0x20, s18, s7, $0xb8;
	[tilespmem:$0x1D400] =	vst v63  }
0x4c: {  	s19 =	rddreg [dreg:$0xd];
	s20 =	simm.s32 $0xB80  }
0x4d: {  	[tilespmem:s19], [sflag:$0x2] =	stream.indirect.gather [hbm4b:s3+s7], $0x20, s20, s7, $0xb8;
	[tilespmem:$0x1D400] =	vst v63  }
0x4e: {  	s21 =	rddreg [dreg:$0xe];
	s22 =	simm.s32 $0xC00  }
0x4f: {  	[tilespmem:s21], [sflag:$0x2] =	stream.indirect.gather [hbm4b:s3+s7], $0x20, s22, s7, $0xb8;
	[tilespmem:$0x1D400] =	vst v63  }
0x50: {  	s23 =	rddreg [dreg:$0xf];
	s24 =	simm.s32 $0xC80  }
0x51: {  	[tilespmem:s23], [sflag:$0x2] =	stream.indirect.gather [hbm4b:s3+s7], $0x20, s24, s7, $0xb8;
	[tilespmem:$0x1D400] =	vst v63  }
0x52: {  	_ =	swait.ge [sflag:s9], $0x1000  }
0x53: {  	[sflag:s9] =	ssyncset.done $0x0  }
0x54: {  	[sflag:s9] =	ssyncadd.s32 $0xFFFFF000  }
0x55: {  	_ =	swait.ge [sflag:s9], $0x1000  }
0x56: {  	[sflag:s9] =	ssyncset.done $0x0  }
0x57: {  	[sflag:s9] =	ssyncadd.s32 $0xFFFFF000  }
0x58: {  	_ =	swait.ge [sflag:s9], $0x1000  }
0x59: {  	[sflag:s9] =	ssyncset.done $0x0  }
0x5a: {  	[sflag:s9] =	ssyncadd.s32 $0xFFFFF000  }
0x5b: {  	_ =	swait.ge [sflag:s9], $0x1000  }
0x5c: {  	[sflag:s9] =	ssyncset.done $0x0  }
0x5d: {  	[sflag:s9] =	ssyncadd.s32 $0xFFFFF000  }
0x5e: {  	_ =	swait.ge [sflag:s9], $0x1000  }
0x5f: {  	[sflag:s9] =	ssyncset.done $0x0  }
0x60: {  	[sflag:s9] =	ssyncadd.s32 $0xFFFFF000  }
0x61: {  	_ =	swait.ge [sflag:s9], $0x1000  }
0x62: {  	[sflag:s9] =	ssyncset.done $0x0  }
0x63: {  	[sflag:s9] =	ssyncadd.s32 $0xFFFFF000  }
0x64: {  	_ =	swait.ge [sflag:s9], $0x1000  }
0x65: {  	[sflag:s9] =	ssyncset.done $0x0  }
0x66: {  	[sflag:s9] =	ssyncadd.s32 $0xFFFFF000  }
0x67: {  	_ =	swait.ge [sflag:s9], $0x1000  }
0x68: {  	[sflag:s9] =	ssyncset.done $0x0  }
0x69: {  	[sflag:s9] =	ssyncadd.s32 $0xFFFFF000  }
0x6a: {  	_ =	swait.ge [sflag:s9], $0x1000  }
0x6b: {  	[sflag:s9] =	ssyncset.done $0x0  }
0x6c: {  	[sflag:s9] =	ssyncadd.s32 $0xFFFFF000  }
0x6d: {  	_ =	swait.ge [sflag:s9], $0x1000  }
0x6e: {  	[sflag:s9] =	ssyncset.done $0x0  }
0x6f: {  	[sflag:s9] =	ssyncadd.s32 $0xFFFFF000  }
0x70: {  	_ =	swait.ge [sflag:s9], $0x1000  }
0x71: {  	[sflag:s9] =	ssyncset.done $0x0  }
0x72: {  	[sflag:s9] =	ssyncadd.s32 $0xFFFFF000  }
0x73: {  	_ =	swait.ge [sflag:s9], $0x1000  }
0x74: {  	[sflag:s9] =	ssyncset.done $0x0  }
0x75: {  	[sflag:s9] =	ssyncadd.s32 $0xFFFFF000  }
0x76: {  	_ =	swait.ge [sflag:s9], $0x1000  }
0x77: {  	s25 =	rddreg [dreg:$0x2];
	[sflag:s9] =	ssyncset.done $0x0  }
0x78: {  	[sflag:s9] =	ssyncadd.s32 $0xFFFFF000;
	s14 =	sadd.s32 $0x0, s25  }
0x79: {  	[hbm4b:s14+s2] =	stream.linear.scatter [tilespmem:s8], [sflag:$0x3], $0xD000, $0x38;
	[tilespmem:$0x1D400] =	vst v63  }
0x7a: {  	p0 =	por $0x0, $0x0;
	_ =	swait.ge [sflag:s10], $0xD000  }
0x7b: {  	s16 =	simm.s32 @!p0 $0x80;
	[sflag:s10] =	ssyncset.done $0x0  }
0x7c: {  	s15 =	simm.s32 @!p0 $0xD00;
	s14 =	simm.s32 @!p0 $0x3400;
	[sflag:s10] =	ssyncadd.s32 $0xFFFF3000  }
0x7d: {  	[tilespmem:s14], [sflag:$0x1] =	stream.indirect.gather @!p0 [hbm4b:s3+s16], $0x20, s15, s16, $0xb8;
	[tilespmem:$0x1D400] =	vst v63  }
0x7e: {  	s14 =	simm.s32 @!p0 $0xD80;
	s15 =	simm.s32 @!p0 $0x4400  }
0x7f: {  	[tilespmem:s15], [sflag:$0x1] =	stream.indirect.gather @!p0 [hbm4b:s3+s16], $0x20, s14, s16, $0xb8;
	[tilespmem:$0x1D400] =	vst v63  }
0x80: {  	s14 =	simm.s32 @!p0 $0xE00;
	s15 =	simm.s32 @!p0 $0x5400  }
0x81: {  	[tilespmem:s15], [sflag:$0x1] =	stream.indirect.gather @!p0 [hbm4b:s3+s16], $0x20, s14, s16, $0xb8;
	[tilespmem:$0x1D400] =	vst v63  }
0x82: {  	s14 =	simm.s32 @!p0 $0xE80;
	s15 =	simm.s32 @!p0 $0x6400  }
0x83: {  	[tilespmem:s15], [sflag:$0x1] =	stream.indirect.gather @!p0 [hbm4b:s3+s16], $0x20, s14, s16, $0xb8;
	[tilespmem:$0x1D400] =	vst v63  }
0x84: {  	s14 =	simm.s32 @!p0 $0xF00;
	s15 =	simm.s32 @!p0 $0x7400  }
0x85: {  	[tilespmem:s15], [sflag:$0x1] =	stream.indirect.gather @!p0 [hbm4b:s3+s16], $0x20, s14, s16, $0xb8;
	[tilespmem:$0x1D400] =	vst v63  }
0x86: {  	s14 =	simm.s32 @!p0 $0xF80;
	s15 =	simm.s32 @!p0 $0x8400  }
0x87: {  	[tilespmem:s15], [sflag:$0x1] =	stream.indirect.gather @!p0 [hbm4b:s3+s16], $0x20, s14, s16, $0xb8;
	[tilespmem:$0x1D400] =	vst v63  }
0x88: {  	s14 =	simm.s32 @!p0 $0x1000;
	s15 =	simm.s32 @!p0 $0x9400  }
0x89: {  	[tilespmem:s15], [sflag:$0x1] =	stream.indirect.gather @!p0 [hbm4b:s3+s16], $0x20, s14, s16, $0xb8;
	[tilespmem:$0x1D400] =	vst v63  }
0x8a: {  	s14 =	simm.s32 @!p0 $0x1080;
	s15 =	simm.s32 @!p0 $0xA400  }
0x8b: {  	[tilespmem:s15], [sflag:$0x1] =	stream.indirect.gather @!p0 [hbm4b:s3+s16], $0x20, s14, s16, $0xb8;
	[tilespmem:$0x1D400] =	vst v63  }
0x8c: {  	s14 =	simm.s32 @!p0 $0x1100;
	s15 =	simm.s32 @!p0 $0xB400  }
0x8d: {  	[tilespmem:s15], [sflag:$0x1] =	stream.indirect.gather @!p0 [hbm4b:s3+s16], $0x20, s14, s16, $0xb8;
	[tilespmem:$0x1D400] =	vst v63  }
0x8e: {  	s14 =	simm.s32 @!p0 $0x1180;
	s15 =	simm.s32 @!p0 $0xC400  }
0x8f: {  	[tilespmem:s15], [sflag:$0x1] =	stream.indirect.gather @!p0 [hbm4b:s3+s16], $0x20, s14, s16, $0xb8;
	[tilespmem:$0x1D400] =	vst v63  }
0x90: {  	s14 =	simm.s32 @!p0 $0x1200;
	s15 =	simm.s32 @!p0 $0xD400  }
0x91: {  	[tilespmem:s15], [sflag:$0x1] =	stream.indirect.gather @!p0 [hbm4b:s3+s16], $0x20, s14, s16, $0xb8;
	[tilespmem:$0x1D400] =	vst v63  }
0x92: {  	s14 =	simm.s32 @!p0 $0x1280;
	s15 =	simm.s32 @!p0 $0xE400  }
0x93: {  	[tilespmem:s15], [sflag:$0x1] =	stream.indirect.gather @!p0 [hbm4b:s3+s16], $0x20, s14, s16, $0xb8;
	[tilespmem:$0x1D400] =	vst v63  }
0x94: {  	s14 =	simm.s32 @!p0 $0x1300;
	s15 =	simm.s32 @!p0 $0xF400  }
0x95: {  	[tilespmem:s15], [sflag:$0x1] =	stream.indirect.gather @!p0 [hbm4b:s3+s16], $0x20, s14, s16, $0xb8;
	[tilespmem:$0x1D400] =	vst v63  }
0x96: {  	_ =	swait.ge [sflag:s11], $0x1000  }
0x97: {  	[sflag:s11] =	ssyncset.done $0x0  }
0x98: {  	[sflag:s11] =	ssyncadd.s32 $0xFFFFF000  }
0x99: {  	_ =	swait.ge [sflag:s11], $0x1000  }
0x9a: {  	[sflag:s11] =	ssyncset.done $0x0  }
0x9b: {  	[sflag:s11] =	ssyncadd.s32 $0xFFFFF000  }
0x9c: {  	_ =	swait.ge [sflag:s11], $0x1000  }
0x9d: {  	[sflag:s11] =	ssyncset.done $0x0  }
0x9e: {  	[sflag:s11] =	ssyncadd.s32 $0xFFFFF000  }
0x9f: {  	_ =	swait.ge [sflag:s11], $0x1000  }
0xa0: {  	[sflag:s11] =	ssyncset.done $0x0  }
0xa1: {  	[sflag:s11] =	ssyncadd.s32 $0xFFFFF000  }
0xa2: {  	_ =	swait.ge [sflag:s11], $0x1000  }
0xa3: {  	[sflag:s11] =	ssyncset.done $0x0  }
0xa4: {  	[sflag:s11] =	ssyncadd.s32 $0xFFFFF000  }
0xa5: {  	_ =	swait.ge [sflag:s11], $0x1000  }
0xa6: {  	[sflag:s11] =	ssyncset.done $0x0  }
0xa7: {  	[sflag:s11] =	ssyncadd.s32 $0xFFFFF000  }
0xa8: {  	_ =	swait.ge [sflag:s11], $0x1000  }
0xa9: {  	[sflag:s11] =	ssyncset.done $0x0  }
0xaa: {  	[sflag:s11] =	ssyncadd.s32 $0xFFFFF000  }
0xab: {  	_ =	swait.ge [sflag:s11], $0x1000  }
0xac: {  	[sflag:s11] =	ssyncset.done $0x0  }
0xad: {  	[sflag:s11] =	ssyncadd.s32 $0xFFFFF000  }
0xae: {  	_ =	swait.ge [sflag:s11], $0x1000  }
0xaf: {  	[sflag:s11] =	ssyncset.done $0x0  }
0xb0: {  	[sflag:s11] =	ssyncadd.s32 $0xFFFFF000  }
0xb1: {  	_ =	swait.ge [sflag:s11], $0x1000  }
0xb2: {  	[sflag:s11] =	ssyncset.done $0x0  }
0xb3: {  	[sflag:s11] =	ssyncadd.s32 $0xFFFFF000  }
0xb4: {  	_ =	swait.ge [sflag:s11], $0x1000  }
0xb5: {  	[sflag:s11] =	ssyncset.done $0x0  }
0xb6: {  	[sflag:s11] =	ssyncadd.s32 $0xFFFFF000  }
0xb7: {  	_ =	swait.ge [sflag:s11], $0x1000  }
0xb8: {  	[sflag:s11] =	ssyncset.done $0x0  }
0xb9: {  	[sflag:s11] =	ssyncadd.s32 $0xFFFFF000  }
0xba: {  	p1 =	por $0x0, $0x0;
	_ =	swait.ge [sflag:s11], $0x1000  }
0xbb: {  	s14 =	simm.s32 $0x3400;
	s15 =	simm.s32 $0x6800;
	[sflag:s11] =	ssyncset.done $0x0  }
0xbc: {  	s16 =	simm.s32 $0x0;
	s17 =	rddreg [dreg:$0x3];
	[sflag:s11] =	ssyncadd.s32 $0xFFFFF000  }
.LBB2_2:
0xbd: {  	s18 =	simm.s32 @!p1 $0x4;
	s17 =	sadd.s32 s16, s17  }
0xbe: {  	[hbm4b:s17+s2] =	stream.linear.scatter [tilespmem:s0], [sflag:$0x4], $0xD000, $0x38;
	[tilespmem:$0x1D400] =	vst v63  }
0xbf: {  	s16 =	smov.u32 s14;
	_ =	swait.ge @!p1 [sflag:s18], $0xD000  }
0xc0: {  	s17 =	sshra.s32 s16, $0x2;
	[sflag:s18] =	ssyncset.done @!p1 $0x0  }
0xc1: {  	s20 =	sadd.s32 $0x680, s17;
	[sflag:s18] =	ssyncadd.s32 @!p1 $0xFFFF3000  }
0xc2: {  	[tilespmem:s0], [sflag:$0x2] =	stream.indirect.gather [hbm4b:s3+s7], $0x20, s20, s7, $0xb8;
	[tilespmem:$0x1D400] =	vst v63  }
0xc3: {  	s21 =	sadd.s32 $0x700, s17;
	s19 =	rddreg [dreg:$0x4]  }
0xc4: {  	[tilespmem:s19], [sflag:$0x2] =	stream.indirect.gather [hbm4b:s3+s7], $0x20, s21, s7, $0xb8;
	[tilespmem:$0x1D400] =	vst v63  }
0xc5: {  	s22 =	sadd.s32 $0x780, s17;
	s20 =	rddreg [dreg:$0x5]  }
0xc6: {  	[tilespmem:s20], [sflag:$0x2] =	stream.indirect.gather [hbm4b:s3+s7], $0x20, s22, s7, $0xb8;
	[tilespmem:$0x1D400] =	vst v63  }
0xc7: {  	s24 =	sadd.s32 $0x800, s17;
	s23 =	rddreg [dreg:$0x6]  }
0xc8: {  	[tilespmem:s23], [sflag:$0x2] =	stream.indirect.gather [hbm4b:s3+s7], $0x20, s24, s7, $0xb8;
	[tilespmem:$0x1D400] =	vst v63  }
0xc9: {  	s25 =	rddreg [dreg:$0x7];
	s19 =	sadd.s32 $0x880, s17  }
0xca: {  	[tilespmem:s25], [sflag:$0x2] =	stream.indirect.gather [hbm4b:s3+s7], $0x20, s19, s7, $0xb8;
	[tilespmem:$0x1D400] =	vst v63  }
0xcb: {  	s21 =	rddreg [dreg:$0x8];
	s22 =	sadd.s32 $0x900, s17  }
0xcc: {  	[tilespmem:s21], [sflag:$0x2] =	stream.indirect.gather [hbm4b:s3+s7], $0x20, s22, s7, $0xb8;
	[tilespmem:$0x1D400] =	vst v63  }
0xcd: {  	s23 =	rddreg [dreg:$0x9];
	s24 =	sadd.s32 $0x980, s17  }
0xce: {  	[tilespmem:s23], [sflag:$0x2] =	stream.indirect.gather [hbm4b:s3+s7], $0x20, s24, s7, $0xb8;
	[tilespmem:$0x1D400] =	vst v63  }
0xcf: {  	s20 =	sadd.s32 $0xA00, s17;
	s25 =	rddreg [dreg:$0xa]  }
0xd0: {  	[tilespmem:s25], [sflag:$0x2] =	stream.indirect.gather [hbm4b:s3+s7], $0x20, s20, s7, $0xb8;
	[tilespmem:$0x1D400] =	vst v63  }
0xd1: {  	s21 =	rddreg [dreg:$0xb];
	s22 =	sadd.s32 $0xA80, s17  }
0xd2: {  	[tilespmem:s21], [sflag:$0x2] =	stream.indirect.gather [hbm4b:s3+s7], $0x20, s22, s7, $0xb8;
	[tilespmem:$0x1D400] =	vst v63  }
0xd3: {  	s23 =	rddreg [dreg:$0xc];
	s24 =	sadd.s32 $0xB00, s17  }
0xd4: {  	[tilespmem:s23], [sflag:$0x2] =	stream.indirect.gather [hbm4b:s3+s7], $0x20, s24, s7, $0xb8;
	[tilespmem:$0x1D400] =	vst v63  }
0xd5: {  	s25 =	rddreg [dreg:$0xd];
	s21 =	sadd.s32 $0xB80, s17  }
0xd6: {  	[tilespmem:s25], [sflag:$0x2] =	stream.indirect.gather [hbm4b:s3+s7], $0x20, s21, s7, $0xb8;
	[tilespmem:$0x1D400] =	vst v63  }
0xd7: {  	s22 =	rddreg [dreg:$0xe];
	s23 =	sadd.s32 $0xC00, s17  }
0xd8: {  	[tilespmem:s22], [sflag:$0x2] =	stream.indirect.gather [hbm4b:s3+s7], $0x20, s23, s7, $0xb8;
	[tilespmem:$0x1D400] =	vst v63  }
0xd9: {  	s24 =	rddreg [dreg:$0xf];
	s17 =	sadd.s32 $0xC80, s17  }
0xda: {  	[tilespmem:s24], [sflag:$0x2] =	stream.indirect.gather [hbm4b:s3+s7], $0x20, s17, s7, $0xb8;
	[tilespmem:$0x1D400] =	vst v63  }
0xdb: {  	_ =	swait.ge [sflag:s9], $0x1000  }
0xdc: {  	[sflag:s9] =	ssyncset.done $0x0  }
0xdd: {  	[sflag:s9] =	ssyncadd.s32 $0xFFFFF000  }
0xde: {  	_ =	swait.ge [sflag:s9], $0x1000  }
0xdf: {  	[sflag:s9] =	ssyncset.done $0x0  }
0xe0: {  	[sflag:s9] =	ssyncadd.s32 $0xFFFFF000  }
0xe1: {  	_ =	swait.ge [sflag:s9], $0x1000  }
0xe2: {  	[sflag:s9] =	ssyncset.done $0x0  }
0xe3: {  	[sflag:s9] =	ssyncadd.s32 $0xFFFFF000  }
0xe4: {  	_ =	swait.ge [sflag:s9], $0x1000  }
0xe5: {  	[sflag:s9] =	ssyncset.done $0x0  }
0xe6: {  	[sflag:s9] =	ssyncadd.s32 $0xFFFFF000  }
0xe7: {  	_ =	swait.ge [sflag:s9], $0x1000  }
0xe8: {  	[sflag:s9] =	ssyncset.done $0x0  }
0xe9: {  	[sflag:s9] =	ssyncadd.s32 $0xFFFFF000  }
0xea: {  	_ =	swait.ge [sflag:s9], $0x1000  }
0xeb: {  	[sflag:s9] =	ssyncset.done $0x0  }
0xec: {  	[sflag:s9] =	ssyncadd.s32 $0xFFFFF000  }
0xed: {  	_ =	swait.ge [sflag:s9], $0x1000  }
0xee: {  	[sflag:s9] =	ssyncset.done $0x0  }
0xef: {  	[sflag:s9] =	ssyncadd.s32 $0xFFFFF000  }
0xf0: {  	_ =	swait.ge [sflag:s9], $0x1000  }
0xf1: {  	[sflag:s9] =	ssyncset.done $0x0  }
0xf2: {  	[sflag:s9] =	ssyncadd.s32 $0xFFFFF000  }
0xf3: {  	_ =	swait.ge [sflag:s9], $0x1000  }
0xf4: {  	[sflag:s9] =	ssyncset.done $0x0  }
0xf5: {  	[sflag:s9] =	ssyncadd.s32 $0xFFFFF000  }
0xf6: {  	_ =	swait.ge [sflag:s9], $0x1000  }
0xf7: {  	[sflag:s9] =	ssyncset.done $0x0  }
0xf8: {  	[sflag:s9] =	ssyncadd.s32 $0xFFFFF000  }
0xf9: {  	_ =	swait.ge [sflag:s9], $0x1000  }
0xfa: {  	[sflag:s9] =	ssyncset.done $0x0  }
0xfb: {  	[sflag:s9] =	ssyncadd.s32 $0xFFFFF000  }
0xfc: {  	_ =	swait.ge [sflag:s9], $0x1000  }
0xfd: {  	[sflag:s9] =	ssyncset.done $0x0  }
0xfe: {  	[sflag:s9] =	ssyncadd.s32 $0xFFFFF000  }
0xff: {  	_ =	swait.ge [sflag:s9], $0x1000  }
0x100: {  	s25 =	rddreg [dreg:$0x2];
	[sflag:s9] =	ssyncset.done $0x0  }
0x101: {  	[sflag:s9] =	ssyncadd.s32 $0xFFFFF000;
	s17 =	sadd.s32 s16, s25  }
0x102: {  	[hbm4b:s17+s2] =	stream.linear.scatter [tilespmem:s8], [sflag:$0x3], $0xD000, $0x38;
	[tilespmem:$0x1D400] =	vst v63  }
0x103: {  	p1 =	seq.s32 s16, $0x9C00;
	_ =	swait.ge [sflag:s10], $0xD000  }
0x104: {  	s18 =	simm.s32 @!p1 $0x3400;
	s17 =	sshra.s32 @!p1 s16, $0x2;
	[sflag:s10] =	ssyncset.done $0x0  }
0x105: {  	s20 =	simm.s32 @!p1 $0x80;
	s19 =	sadd.s32 @!p1 $0xD00, s17;
	[sflag:s10] =	ssyncadd.s32 $0xFFFF3000  }
0x106: {  	[tilespmem:s18], [sflag:$0x1] =	stream.indirect.gather @!p1 [hbm4b:s3+s20], $0x20, s19, s20, $0xb8;
	[tilespmem:$0x1D400] =	vst v63  }
0x107: {  	s18 =	sadd.s32 @!p1 $0xD80, s17;
	s19 =	simm.s32 @!p1 $0x4400  }
0x108: {  	[tilespmem:s19], [sflag:$0x1] =	stream.indirect.gather @!p1 [hbm4b:s3+s20], $0x20, s18, s20, $0xb8;
	[tilespmem:$0x1D400] =	vst v63  }
0x109: {  	s21 =	sadd.s32 @!p1 $0xE00, s17;
	s18 =	simm.s32 @!p1 $0x5400  }
0x10a: {  	[tilespmem:s18], [sflag:$0x1] =	stream.indirect.gather @!p1 [hbm4b:s3+s20], $0x20, s21, s20, $0xb8;
	[tilespmem:$0x1D400] =	vst v63  }
0x10b: {  	s19 =	sadd.s32 @!p1 $0xE80, s17;
	s18 =	simm.s32 @!p1 $0x6400  }
0x10c: {  	[tilespmem:s18], [sflag:$0x1] =	stream.indirect.gather @!p1 [hbm4b:s3+s20], $0x20, s19, s20, $0xb8;
	[tilespmem:$0x1D400] =	vst v63  }
0x10d: {  	s22 =	sadd.s32 @!p1 $0xF00, s17;
	s18 =	simm.s32 @!p1 $0x7400  }
0x10e: {  	[tilespmem:s18], [sflag:$0x1] =	stream.indirect.gather @!p1 [hbm4b:s3+s20], $0x20, s22, s20, $0xb8;
	[tilespmem:$0x1D400] =	vst v63  }
0x10f: {  	s21 =	sadd.s32 @!p1 $0xF80, s17;
	s18 =	simm.s32 @!p1 $0x8400  }
0x110: {  	[tilespmem:s18], [sflag:$0x1] =	stream.indirect.gather @!p1 [hbm4b:s3+s20], $0x20, s21, s20, $0xb8;
	[tilespmem:$0x1D400] =	vst v63  }
0x111: {  	s23 =	sadd.s32 @!p1 $0x1000, s17;
	s18 =	simm.s32 @!p1 $0x9400  }
0x112: {  	[tilespmem:s18], [sflag:$0x1] =	stream.indirect.gather @!p1 [hbm4b:s3+s20], $0x20, s23, s20, $0xb8;
	[tilespmem:$0x1D400] =	vst v63  }
0x113: {  	s19 =	sadd.s32 @!p1 $0x1080, s17;
	s18 =	simm.s32 @!p1 $0xA400  }
0x114: {  	[tilespmem:s18], [sflag:$0x1] =	stream.indirect.gather @!p1 [hbm4b:s3+s20], $0x20, s19, s20, $0xb8;
	[tilespmem:$0x1D400] =	vst v63  }
0x115: {  	s24 =	sadd.s32 @!p1 $0x1100, s17;
	s18 =	simm.s32 @!p1 $0xB400  }
0x116: {  	[tilespmem:s18], [sflag:$0x1] =	stream.indirect.gather @!p1 [hbm4b:s3+s20], $0x20, s24, s20, $0xb8;
	[tilespmem:$0x1D400] =	vst v63  }
0x117: {  	s22 =	sadd.s32 @!p1 $0x1180, s17;
	s18 =	simm.s32 @!p1 $0xC400  }
0x118: {  	[tilespmem:s18], [sflag:$0x1] =	stream.indirect.gather @!p1 [hbm4b:s3+s20], $0x20, s22, s20, $0xb8;
	[tilespmem:$0x1D400] =	vst v63  }
0x119: {  	s25 =	sadd.s32 @!p1 $0x1200, s17;
	s18 =	simm.s32 @!p1 $0xD400  }
0x11a: {  	[tilespmem:s18], [sflag:$0x1] =	stream.indirect.gather @!p1 [hbm4b:s3+s20], $0x20, s25, s20, $0xb8;
	[tilespmem:$0x1D400] =	vst v63  }
0x11b: {  	s21 =	sadd.s32 @!p1 $0x1280, s17;
	s18 =	simm.s32 @!p1 $0xE400  }
0x11c: {  	[tilespmem:s18], [sflag:$0x1] =	stream.indirect.gather @!p1 [hbm4b:s3+s20], $0x20, s21, s20, $0xb8;
	[tilespmem:$0x1D400] =	vst v63  }
0x11d: {  	s17 =	sadd.s32 @!p1 $0x1300, s17;
	s18 =	simm.s32 @!p1 $0xF400  }
0x11e: {  	[tilespmem:s18], [sflag:$0x1] =	stream.indirect.gather @!p1 [hbm4b:s3+s20], $0x20, s17, s20, $0xb8;
	[tilespmem:$0x1D400] =	vst v63  }
0x11f: {  	_ =	swait.ge [sflag:s11], $0x1000  }
0x120: {  	[sflag:s11] =	ssyncset.done $0x0  }
0x121: {  	[sflag:s11] =	ssyncadd.s32 $0xFFFFF000  }
0x122: {  	_ =	swait.ge [sflag:s11], $0x1000  }
0x123: {  	[sflag:s11] =	ssyncset.done $0x0  }
0x124: {  	[sflag:s11] =	ssyncadd.s32 $0xFFFFF000  }
0x125: {  	_ =	swait.ge [sflag:s11], $0x1000  }
0x126: {  	[sflag:s11] =	ssyncset.done $0x0  }
0x127: {  	[sflag:s11] =	ssyncadd.s32 $0xFFFFF000  }
0x128: {  	_ =	swait.ge [sflag:s11], $0x1000  }
0x129: {  	[sflag:s11] =	ssyncset.done $0x0  }
0x12a: {  	[sflag:s11] =	ssyncadd.s32 $0xFFFFF000  }
0x12b: {  	_ =	swait.ge [sflag:s11], $0x1000  }
0x12c: {  	[sflag:s11] =	ssyncset.done $0x0  }
0x12d: {  	[sflag:s11] =	ssyncadd.s32 $0xFFFFF000  }
0x12e: {  	_ =	swait.ge [sflag:s11], $0x1000  }
0x12f: {  	[sflag:s11] =	ssyncset.done $0x0  }
0x130: {  	[sflag:s11] =	ssyncadd.s32 $0xFFFFF000  }
0x131: {  	_ =	swait.ge [sflag:s11], $0x1000  }
0x132: {  	[sflag:s11] =	ssyncset.done $0x0  }
0x133: {  	[sflag:s11] =	ssyncadd.s32 $0xFFFFF000  }
0x134: {  	_ =	swait.ge [sflag:s11], $0x1000  }
0x135: {  	[sflag:s11] =	ssyncset.done $0x0  }
0x136: {  	[sflag:s11] =	ssyncadd.s32 $0xFFFFF000  }
0x137: {  	_ =	swait.ge [sflag:s11], $0x1000  }
0x138: {  	[sflag:s11] =	ssyncset.done $0x0  }
0x139: {  	[sflag:s11] =	ssyncadd.s32 $0xFFFFF000  }
0x13a: {  	_ =	swait.ge [sflag:s11], $0x1000  }
0x13b: {  	[sflag:s11] =	ssyncset.done $0x0  }
0x13c: {  	[sflag:s11] =	ssyncadd.s32 $0xFFFFF000  }
0x13d: {  	_ =	swait.ge [sflag:s11], $0x1000  }
0x13e: {  	[sflag:s11] =	ssyncset.done $0x0  }
0x13f: {  	s14 =	smov.u32 s15;
	s15 =	sadd.s32 $0x3400, s15;
	[sflag:s11] =	ssyncadd.s32 $0xFFFFF000  }
0x140: {  	p0 =	sne.s32 s15, $0xD000;
	_ =	swait.ge [sflag:s11], $0x1000  }
.Ltmp0:
0x141: {  	[sflag:s11] =	ssyncset.done $0x0;
	(pc) =	sbr.rel @p0 .LBB2_2-.Ltmp0, $4  }
0x142: {  	[sflag:s11] =	ssyncadd.s32 $0xFFFFF000  }
0x143: {  	_ =	swait.ge [sflag:s11], $0x1000  }
0x144: {  	[sflag:s11] =	ssyncset.done $0x0  }
0x145: {  	p1 =	seq.s32 s14, $0x0;
	s17 =	rddreg [dreg:$0x3];
	[sflag:s11] =	ssyncadd.s32 $0xFFFFF000  }
0x146: {  	s15 =	simm.s32 @!p1 $0x4;
	s16 =	sadd.s32 s16, s17  }
0x147: {  	[hbm4b:s16+s2] =	stream.linear.scatter [tilespmem:s0], [sflag:$0x4], $0xD000, $0x38;
	[tilespmem:$0x1D400] =	vst v63  }
0x148: {  	_ =	swait.ge @!p1 [sflag:s15], $0xD000  }
0x149: {  	s16 =	sshra.s32 s14, $0x2;
	[sflag:s15] =	ssyncset.done @!p1 $0x0  }
0x14a: {  	s23 =	sadd.s32 $0x680, s16;
	[sflag:s15] =	ssyncadd.s32 @!p1 $0xFFFF3000  }
0x14b: {  	[tilespmem:s0], [sflag:$0x2] =	stream.indirect.gather [hbm4b:s3+s7], $0x20, s23, s7, $0xb8;
	[tilespmem:$0x1D400] =	vst v63  }
0x14c: {  	s25 =	sadd.s32 $0x700, s16;
	s24 =	rddreg [dreg:$0x4]  }
0x14d: {  	[tilespmem:s24], [sflag:$0x2] =	stream.indirect.gather [hbm4b:s3+s7], $0x20, s25, s7, $0xb8;
	[tilespmem:$0x1D400] =	vst v63  }
0x14e: {  	s17 =	sadd.s32 $0x780, s16;
	s18 =	rddreg [dreg:$0x5]  }
0x14f: {  	[tilespmem:s18], [sflag:$0x2] =	stream.indirect.gather [hbm4b:s3+s7], $0x20, s17, s7, $0xb8;
	[tilespmem:$0x1D400] =	vst v63  }
0x150: {  	s20 =	sadd.s32 $0x800, s16;
	s19 =	rddreg [dreg:$0x6]  }
0x151: {  	[tilespmem:s19], [sflag:$0x2] =	stream.indirect.gather [hbm4b:s3+s7], $0x20, s20, s7, $0xb8;
	[tilespmem:$0x1D400] =	vst v63  }
0x152: {  	s22 =	sadd.s32 $0x880, s16;
	s21 =	rddreg [dreg:$0x7]  }
0x153: {  	[tilespmem:s21], [sflag:$0x2] =	stream.indirect.gather [hbm4b:s3+s7], $0x20, s22, s7, $0xb8;
	[tilespmem:$0x1D400] =	vst v63  }
0x154: {  	s23 =	rddreg [dreg:$0x8];
	s24 =	sadd.s32 $0x900, s16  }
0x155: {  	[tilespmem:s23], [sflag:$0x2] =	stream.indirect.gather [hbm4b:s3+s7], $0x20, s24, s7, $0xb8;
	[tilespmem:$0x1D400] =	vst v63  }
0x156: {  	s25 =	rddreg [dreg:$0x9];
	s17 =	sadd.s32 $0x980, s16  }
0x157: {  	[tilespmem:s25], [sflag:$0x2] =	stream.indirect.gather [hbm4b:s3+s7], $0x20, s17, s7, $0xb8;
	[tilespmem:$0x1D400] =	vst v63  }
0x158: {  	s19 =	rddreg [dreg:$0xa];
	s20 =	sadd.s32 $0xA00, s16  }
0x159: {  	[tilespmem:s19], [sflag:$0x2] =	stream.indirect.gather [hbm4b:s3+s7], $0x20, s20, s7, $0xb8;
	[tilespmem:$0x1D400] =	vst v63  }
0x15a: {  	s21 =	rddreg [dreg:$0xb];
	s22 =	sadd.s32 $0xA80, s16  }
0x15b: {  	[tilespmem:s21], [sflag:$0x2] =	stream.indirect.gather [hbm4b:s3+s7], $0x20, s22, s7, $0xb8;
	[tilespmem:$0x1D400] =	vst v63  }
0x15c: {  	s23 =	rddreg [dreg:$0xc];
	s24 =	sadd.s32 $0xB00, s16  }
0x15d: {  	[tilespmem:s23], [sflag:$0x2] =	stream.indirect.gather [hbm4b:s3+s7], $0x20, s24, s7, $0xb8;
	[tilespmem:$0x1D400] =	vst v63  }
0x15e: {  	s25 =	rddreg [dreg:$0xd];
	s17 =	sadd.s32 $0xB80, s16  }
0x15f: {  	[tilespmem:s25], [sflag:$0x2] =	stream.indirect.gather [hbm4b:s3+s7], $0x20, s17, s7, $0xb8;
	[tilespmem:$0x1D400] =	vst v63  }
0x160: {  	s19 =	rddreg [dreg:$0xe];
	s20 =	sadd.s32 $0xC00, s16  }
0x161: {  	[tilespmem:s19], [sflag:$0x2] =	stream.indirect.gather [hbm4b:s3+s7], $0x20, s20, s7, $0xb8;
	[tilespmem:$0x1D400] =	vst v63  }
0x162: {  	s21 =	rddreg [dreg:$0xf];
	s22 =	sadd.s32 $0xC80, s16  }
0x163: {  	[tilespmem:s21], [sflag:$0x2] =	stream.indirect.gather [hbm4b:s3+s7], $0x20, s22, s7, $0xb8;
	[tilespmem:$0x1D400] =	vst v63  }
0x164: {  	_ =	swait.ge [sflag:s9], $0x1000  }
0x165: {  	[sflag:s9] =	ssyncset.done $0x0  }
0x166: {  	[sflag:s9] =	ssyncadd.s32 $0xFFFFF000  }
0x167: {  	_ =	swait.ge [sflag:s9], $0x1000  }
0x168: {  	[sflag:s9] =	ssyncset.done $0x0  }
0x169: {  	[sflag:s9] =	ssyncadd.s32 $0xFFFFF000  }
0x16a: {  	_ =	swait.ge [sflag:s9], $0x1000  }
0x16b: {  	[sflag:s9] =	ssyncset.done $0x0  }
0x16c: {  	[sflag:s9] =	ssyncadd.s32 $0xFFFFF000  }
0x16d: {  	_ =	swait.ge [sflag:s9], $0x1000  }
0x16e: {  	[sflag:s9] =	ssyncset.done $0x0  }
0x16f: {  	[sflag:s9] =	ssyncadd.s32 $0xFFFFF000  }
0x170: {  	_ =	swait.ge [sflag:s9], $0x1000  }
0x171: {  	[sflag:s9] =	ssyncset.done $0x0  }
0x172: {  	[sflag:s9] =	ssyncadd.s32 $0xFFFFF000  }
0x173: {  	_ =	swait.ge [sflag:s9], $0x1000  }
0x174: {  	[sflag:s9] =	ssyncset.done $0x0  }
0x175: {  	[sflag:s9] =	ssyncadd.s32 $0xFFFFF000  }
0x176: {  	_ =	swait.ge [sflag:s9], $0x1000  }
0x177: {  	[sflag:s9] =	ssyncset.done $0x0  }
0x178: {  	[sflag:s9] =	ssyncadd.s32 $0xFFFFF000  }
0x179: {  	_ =	swait.ge [sflag:s9], $0x1000  }
0x17a: {  	[sflag:s9] =	ssyncset.done $0x0  }
0x17b: {  	[sflag:s9] =	ssyncadd.s32 $0xFFFFF000  }
0x17c: {  	_ =	swait.ge [sflag:s9], $0x1000  }
0x17d: {  	[sflag:s9] =	ssyncset.done $0x0  }
0x17e: {  	[sflag:s9] =	ssyncadd.s32 $0xFFFFF000  }
0x17f: {  	_ =	swait.ge [sflag:s9], $0x1000  }
0x180: {  	[sflag:s9] =	ssyncset.done $0x0  }
0x181: {  	[sflag:s9] =	ssyncadd.s32 $0xFFFFF000  }
0x182: {  	_ =	swait.ge [sflag:s9], $0x1000  }
0x183: {  	[sflag:s9] =	ssyncset.done $0x0  }
0x184: {  	[sflag:s9] =	ssyncadd.s32 $0xFFFFF000  }
0x185: {  	_ =	swait.ge [sflag:s9], $0x1000  }
0x186: {  	[sflag:s9] =	ssyncset.done $0x0  }
0x187: {  	[sflag:s9] =	ssyncadd.s32 $0xFFFFF000  }
0x188: {  	_ =	swait.ge [sflag:s9], $0x1000  }
0x189: {  	s23 =	rddreg [dreg:$0x2];
	[sflag:s9] =	ssyncset.done $0x0  }
0x18a: {  	[sflag:s9] =	ssyncadd.s32 $0xFFFFF000;
	s15 =	sadd.s32 s14, s23  }
0x18b: {  	[hbm4b:s15+s2] =	stream.linear.scatter [tilespmem:s8], [sflag:$0x3], $0xD000, $0x38;
	[tilespmem:$0x1D400] =	vst v63  }
0x18c: {  	p0 =	seq.s32 s14, $0x9C00;
	_ =	swait.ge [sflag:s10], $0xD000  }
0x18d: {  	s18 =	simm.s32 @!p0 $0x80;
	s15 =	sshra.s32 @!p0 s14, $0x2;
	[sflag:s10] =	ssyncset.done $0x0  }
0x18e: {  	s16 =	simm.s32 @!p0 $0x3400;
	s17 =	sadd.s32 @!p0 $0xD00, s15;
	[sflag:s10] =	ssyncadd.s32 $0xFFFF3000  }
0x18f: {  	[tilespmem:s16], [sflag:$0x1] =	stream.indirect.gather @!p0 [hbm4b:s3+s18], $0x20, s17, s18, $0xb8;
	[tilespmem:$0x1D400] =	vst v63  }
0x190: {  	s16 =	sadd.s32 @!p0 $0xD80, s15;
	s17 =	simm.s32 @!p0 $0x4400  }
0x191: {  	[tilespmem:s17], [sflag:$0x1] =	stream.indirect.gather @!p0 [hbm4b:s3+s18], $0x20, s16, s18, $0xb8;
	[tilespmem:$0x1D400] =	vst v63  }
0x192: {  	s16 =	sadd.s32 @!p0 $0xE00, s15;
	s17 =	simm.s32 @!p0 $0x5400  }
0x193: {  	[tilespmem:s17], [sflag:$0x1] =	stream.indirect.gather @!p0 [hbm4b:s3+s18], $0x20, s16, s18, $0xb8;
	[tilespmem:$0x1D400] =	vst v63  }
0x194: {  	s16 =	sadd.s32 @!p0 $0xE80, s15;
	s17 =	simm.s32 @!p0 $0x6400  }
0x195: {  	[tilespmem:s17], [sflag:$0x1] =	stream.indirect.gather @!p0 [hbm4b:s3+s18], $0x20, s16, s18, $0xb8;
	[tilespmem:$0x1D400] =	vst v63  }
0x196: {  	s16 =	sadd.s32 @!p0 $0xF00, s15;
	s17 =	simm.s32 @!p0 $0x7400  }
0x197: {  	[tilespmem:s17], [sflag:$0x1] =	stream.indirect.gather @!p0 [hbm4b:s3+s18], $0x20, s16, s18, $0xb8;
	[tilespmem:$0x1D400] =	vst v63  }
0x198: {  	s16 =	sadd.s32 @!p0 $0xF80, s15;
	s17 =	simm.s32 @!p0 $0x8400  }
0x199: {  	[tilespmem:s17], [sflag:$0x1] =	stream.indirect.gather @!p0 [hbm4b:s3+s18], $0x20, s16, s18, $0xb8;
	[tilespmem:$0x1D400] =	vst v63  }
0x19a: {  	s16 =	sadd.s32 @!p0 $0x1000, s15;
	s17 =	simm.s32 @!p0 $0x9400  }
0x19b: {  	[tilespmem:s17], [sflag:$0x1] =	stream.indirect.gather @!p0 [hbm4b:s3+s18], $0x20, s16, s18, $0xb8;
	[tilespmem:$0x1D400] =	vst v63  }
0x19c: {  	s16 =	sadd.s32 @!p0 $0x1080, s15;
	s17 =	simm.s32 @!p0 $0xA400  }
0x19d: {  	[tilespmem:s17], [sflag:$0x1] =	stream.indirect.gather @!p0 [hbm4b:s3+s18], $0x20, s16, s18, $0xb8;
	[tilespmem:$0x1D400] =	vst v63  }
0x19e: {  	s16 =	sadd.s32 @!p0 $0x1100, s15;
	s17 =	simm.s32 @!p0 $0xB400  }
0x19f: {  	[tilespmem:s17], [sflag:$0x1] =	stream.indirect.gather @!p0 [hbm4b:s3+s18], $0x20, s16, s18, $0xb8;
	[tilespmem:$0x1D400] =	vst v63  }
0x1a0: {  	s16 =	sadd.s32 @!p0 $0x1180, s15;
	s17 =	simm.s32 @!p0 $0xC400  }
0x1a1: {  	[tilespmem:s17], [sflag:$0x1] =	stream.indirect.gather @!p0 [hbm4b:s3+s18], $0x20, s16, s18, $0xb8;
	[tilespmem:$0x1D400] =	vst v63  }
0x1a2: {  	s16 =	sadd.s32 @!p0 $0x1200, s15;
	s17 =	simm.s32 @!p0 $0xD400  }
0x1a3: {  	[tilespmem:s17], [sflag:$0x1] =	stream.indirect.gather @!p0 [hbm4b:s3+s18], $0x20, s16, s18, $0xb8;
	[tilespmem:$0x1D400] =	vst v63  }
0x1a4: {  	s16 =	sadd.s32 @!p0 $0x1280, s15;
	s17 =	simm.s32 @!p0 $0xE400  }
0x1a5: {  	[tilespmem:s17], [sflag:$0x1] =	stream.indirect.gather @!p0 [hbm4b:s3+s18], $0x20, s16, s18, $0xb8;
	[tilespmem:$0x1D400] =	vst v63  }
0x1a6: {  	s15 =	sadd.s32 @!p0 $0x1300, s15;
	s16 =	simm.s32 @!p0 $0xF400  }
0x1a7: {  	[tilespmem:s16], [sflag:$0x1] =	stream.indirect.gather @!p0 [hbm4b:s3+s18], $0x20, s15, s18, $0xb8;
	[tilespmem:$0x1D400] =	vst v63  }
0x1a8: {  	_ =	swait.ge [sflag:s11], $0x1000  }
0x1a9: {  	[sflag:s11] =	ssyncset.done $0x0  }
0x1aa: {  	[sflag:s11] =	ssyncadd.s32 $0xFFFFF000  }
0x1ab: {  	_ =	swait.ge [sflag:s11], $0x1000  }
0x1ac: {  	[sflag:s11] =	ssyncset.done $0x0  }
0x1ad: {  	[sflag:s11] =	ssyncadd.s32 $0xFFFFF000  }
0x1ae: {  	_ =	swait.ge [sflag:s11], $0x1000  }
0x1af: {  	[sflag:s11] =	ssyncset.done $0x0  }
0x1b0: {  	[sflag:s11] =	ssyncadd.s32 $0xFFFFF000  }
0x1b1: {  	_ =	swait.ge [sflag:s11], $0x1000  }
0x1b2: {  	[sflag:s11] =	ssyncset.done $0x0  }
0x1b3: {  	[sflag:s11] =	ssyncadd.s32 $0xFFFFF000  }
0x1b4: {  	_ =	swait.ge [sflag:s11], $0x1000  }
0x1b5: {  	[sflag:s11] =	ssyncset.done $0x0  }
0x1b6: {  	[sflag:s11] =	ssyncadd.s32 $0xFFFFF000  }
0x1b7: {  	_ =	swait.ge [sflag:s11], $0x1000  }
0x1b8: {  	[sflag:s11] =	ssyncset.done $0x0  }
0x1b9: {  	[sflag:s11] =	ssyncadd.s32 $0xFFFFF000  }
0x1ba: {  	_ =	swait.ge [sflag:s11], $0x1000  }
0x1bb: {  	[sflag:s11] =	ssyncset.done $0x0  }
0x1bc: {  	[sflag:s11] =	ssyncadd.s32 $0xFFFFF000  }
0x1bd: {  	_ =	swait.ge [sflag:s11], $0x1000  }
0x1be: {  	[sflag:s11] =	ssyncset.done $0x0  }
0x1bf: {  	[sflag:s11] =	ssyncadd.s32 $0xFFFFF000  }
0x1c0: {  	_ =	swait.ge [sflag:s11], $0x1000  }
0x1c1: {  	[sflag:s11] =	ssyncset.done $0x0  }
0x1c2: {  	[sflag:s11] =	ssyncadd.s32 $0xFFFFF000  }
0x1c3: {  	_ =	swait.ge [sflag:s11], $0x1000  }
0x1c4: {  	[sflag:s11] =	ssyncset.done $0x0  }
0x1c5: {  	[sflag:s11] =	ssyncadd.s32 $0xFFFFF000  }
0x1c6: {  	_ =	swait.ge [sflag:s11], $0x1000  }
0x1c7: {  	[sflag:s11] =	ssyncset.done $0x0  }
0x1c8: {  	[sflag:s11] =	ssyncadd.s32 $0xFFFFF000  }
0x1c9: {  	_ =	swait.ge [sflag:s11], $0x1000  }
0x1ca: {  	[sflag:s11] =	ssyncset.done $0x0  }
0x1cb: {  	[sflag:s11] =	ssyncadd.s32 $0xFFFFF000  }
0x1cc: {  	s13 =	sadd.s32 $0x1, s13;
	_ =	swait.ge [sflag:s11], $0x1000  }
0x1cd: {  	p0 =	sne.s32 s13, s5;
	s24 =	rddreg [dreg:$0x3];
	[sflag:s11] =	ssyncset.done $0x0  }
.Ltmp1:
0x1ce: {  	[sflag:s11] =	ssyncadd.s32 $0xFFFFF000;
	s25 =	sadd.s32 s14, s24;
	(pc) =	sbr.rel @p0 .LBB2_1-.Ltmp1, $4  }
0x1cf: {  	[hbm4b:s25+s2] =	stream.linear.scatter [tilespmem:s0], [sflag:$0x4], $0xD000, $0x38;
	[tilespmem:$0x1D400] =	vst v63  }
0x1d0: {  	_ =	swait.ge [sflag:s12], $0xD000  }
0x1d1: {  	[sflag:s12] =	ssyncset.done $0x0  }
0x1d2: {  	[sflag:s12] =	ssyncadd.s32 $0xFFFF3000  }
0x1d3: {  	_ =	sfence.sel $0x180000  }
0x1d4: {  	[bflag:$0x0] =	sbarrier.arrive $0xFFFF  }
0x1d5: {  	_ =	strace $0x90000047  }
0x1d6: {  	s0 =	stileid.u32;
	[bflag:$0x2] =	sbarrier.arrive $0xFFFF  }
0x1d7: {  	p0 =	sne.s32 s0, $0x0;
	s0 =	rddreg [dreg:$0x1]  }
0x1d8: {  	s0 =	sadd.s32 @!p0 $0x100000, s0  }
0x1d9: {  	[sflag:s0] =	ssyncadd.tile.s32 @!p0 $0x1;
	_ =	shalt  }
.Lfunc_end2:
_tile_overlayer_lowered:
.L_overlay_start_2:
0x1da: {  	(tag) =	ssettag $0x2  }
0x1db: {  	s0 =	rddreg [dreg:$0x0];
	s2 =	stileid.u32  }
0x1dc: {  	s1 =	rddreg [dreg:$0x1];
	p0 =	sne.s32 s2, $0x0  }
0x1dd: {  	s3 =	rddreg [dreg:$0x2];
	[bflag:$0x3] =	sbarrier.arrive $0xFFFF;
	s2 =	simm.s32 @!p0 $0x1C05  }
0x1de: {  	[timem:s3], [sflag:s2] =	dma.local @!p0 [hbm:s0], s1  }
0x1df: {  	s0 =	simm.s32 @!p0 $0x5  }
0x1e0: {  	_ =	swait.ge @!p0 [sflag:s0], s1  }
0x1e1: {  	s1 =	ssub.s32 @!p0 $0x0, s1;
	[sflag:s0] =	ssyncset.done @!p0 $0x0  }
0x1e2: {  	[sflag:s0] =	ssyncadd.s32 @!p0 s1  }
0x1e3: {  	[bflag:$0x3] =	sbarrier.arrive $0xFFFF  }
0x1e4: {  	_ =	shalt  }

</sc_bundles>
